<compile_context>
chip_gen: v7x
topology: tpu7x:2x2x1
jax: 0.10.2.dev20260603
libtpu: 0.0.44.dev20260713+nightly
codegen_flags: <defaults>
</compile_context>

<pallas_src>
import functools

import jax
import jax.numpy as jnp
from jax import lax
from jax.experimental import pallas as pl
from jax.experimental.pallas import tpu as pltpu
from jax.experimental.pallas import tpu_sc as plsc

N = 10000
E = 320000
D = 128
ALPHA = 0.2

NP = 10240
NC = 2
NS = 16
NW = NC * NS
EPW = E // NW
CPW = D // NW
LANES = 16

BN = 1024
NBLK = NP // BN

CHUNK = 16000
NCHUNK = E // CHUNK


def _prep_body(x_ref, w_ref, a_ref, s1_ref, s2_ref, wxp_ref):
    xb = x_ref[...]
    wm = w_ref[...]
    wxt = lax.dot_general(wm, xb, (((0,), (1,)), ((), ())),
                          preferred_element_type=jnp.float32)
    a1 = a_ref[:D, :]
    a2 = a_ref[D:, :]
    s1 = lax.dot_general(a1, wxt, (((0,), (0,)), ((), ())),
                         preferred_element_type=jnp.float32)
    s2 = lax.dot_general(a2, wxt, (((0,), (0,)), ((), ())),
                         preferred_element_type=jnp.float32)
    s1_ref[...] = s1[0]
    s2_ref[...] = s2[0]
    lo = lax.bitcast_convert_type(
        wxt[:D // 2, :].astype(jnp.bfloat16), jnp.uint16).astype(jnp.uint32)
    hi = lax.bitcast_convert_type(
        wxt[D // 2:, :].astype(jnp.bfloat16), jnp.uint16).astype(jnp.uint32)
    wxp_ref[...] = lax.bitcast_convert_type(lo | (hi << 16), jnp.int32)


def _prep(xp, W, a):
    return pl.pallas_call(
        _prep_body,
        grid=(NBLK,),
        in_specs=[
            pl.BlockSpec((BN, D), lambda i: (i, 0)),
            pl.BlockSpec((D, D), lambda i: (0, 0)),
            pl.BlockSpec((2 * D, 1), lambda i: (0, 0)),
        ],
        out_specs=[
            pl.BlockSpec((BN,), lambda i: (i,)),
            pl.BlockSpec((BN,), lambda i: (i,)),
            pl.BlockSpec((D // 2, BN), lambda i: (0, i)),
        ],
        out_shape=[
            jax.ShapeDtypeStruct((NP,), jnp.float32),
            jax.ShapeDtypeStruct((NP,), jnp.float32),
            jax.ShapeDtypeStruct((D // 2, NP), jnp.int32),
        ],
    )(xp, W, a)


def _phase_a_body(s1_hbm, s2_hbm, src_hbm, dst_hbm,
                  expv_hbm, sums_hbm, sdp_hbm,
                  s1_v, s2_v, src_v, dst_v, exp_v, sum_v, sd_v):
    wid = lax.axis_index("c") * NS + lax.axis_index("s")
    base = wid * EPW

    pltpu.sync_copy(s1_hbm, s1_v)
    pltpu.sync_copy(s2_hbm, s2_v)
    pltpu.sync_copy(src_hbm.at[pl.ds(base, EPW)], src_v)
    pltpu.sync_copy(dst_hbm.at[pl.ds(base, EPW)], dst_v)

    zeros = jnp.zeros((LANES,), jnp.float32)

    @pl.loop(0, NP // LANES, unroll=8)
    def _zero(j):
        sum_v[pl.ds(j * LANES, LANES)] = zeros

    @plsc.parallel_loop(0, EPW // LANES, unroll=8)
    def _edges(i):
        off = i * LANES
        s16 = src_v[pl.ds(off, LANES)]
        d16 = dst_v[pl.ds(off, LANES)]
        sd_v[pl.ds(off, LANES)] = s16 | (d16 << 16)
        v1 = plsc.load_gather(s1_v, [s16])
        v2 = plsc.load_gather(s2_v, [d16])
        t = v1 + v2
        e = jnp.maximum(t, t * ALPHA)
        ev = jnp.exp(e)
        exp_v[pl.ds(off, LANES)] = ev
        plsc.addupdate_scatter(sum_v, [s16], ev)

    pltpu.sync_copy(exp_v, expv_hbm.at[pl.ds(base, EPW)])
    pltpu.sync_copy(sum_v, sums_hbm.at[wid])
    pltpu.sync_copy(sd_v, sdp_hbm.at[pl.ds(base, EPW)])


def _phase_a(s1, s2, src, dst):
    mesh = plsc.VectorSubcoreMesh(core_axis_name="c", subcore_axis_name="s")
    return pl.kernel(
        _phase_a_body,
        out_type=[
            jax.ShapeDtypeStruct((E,), jnp.float32),
            jax.ShapeDtypeStruct((NW, NP), jnp.float32),
            jax.ShapeDtypeStruct((E,), jnp.int32),
        ],
        mesh=mesh,
        compiler_params=pltpu.CompilerParams(needs_layout_passes=False),
        scratch_types=[
            pltpu.VMEM((NP,), jnp.float32),
            pltpu.VMEM((NP,), jnp.float32),
            pltpu.VMEM((EPW,), jnp.int32),
            pltpu.VMEM((EPW,), jnp.int32),
            pltpu.VMEM((EPW,), jnp.float32),
            pltpu.VMEM((NP,), jnp.float32),
            pltpu.VMEM((EPW,), jnp.int32),
        ],
    )(s1, s2, src, dst)


def _phase_b_body(wxp_hbm, sdp_hbm, expv_hbm,
                  ht_hbm,
                  wx_v, h_v, sd0, sd1, ex0, ex1, sem_a, sem_b):
    wid = lax.axis_index("c") * NS + lax.axis_index("s")
    p0 = wid * (CPW // 2)

    for p in range(CPW // 2):
        pltpu.sync_copy(wxp_hbm.at[p0 + p], wx_v.at[pl.ds(p * NP, NP)])

    zeros = jnp.zeros((LANES,), jnp.float32)

    @pl.loop(0, CPW * NP // LANES, unroll=8)
    def _zero(j):
        h_v[pl.ds(j * LANES, LANES)] = zeros

    def process(sd_v, exp_v):
        @plsc.parallel_loop(0, CHUNK // LANES, unroll=8)
        def _edges(i):
            off = i * LANES
            sd = sd_v[pl.ds(off, LANES)]
            e16 = exp_v[pl.ds(off, LANES)]
            s16 = sd & 0xFFFF
            d16 = lax.shift_right_logical(sd, 16)
            gs = [plsc.load_gather(wx_v, [d16 + (p * NP)])
                  for p in range(CPW // 2)]
            vals = []
            for g in gs:
                lo, hi = plsc.unpack(plsc.bitcast(g, jnp.bfloat16),
                                     format=plsc.PackFormat.INTERLEAVED)
                vals += [e16 * lo, e16 * hi]
            for c in range(CPW):
                plsc.addupdate_scatter(h_v, [s16 + (c * NP)], vals[c])

    pltpu.async_copy(sdp_hbm.at[pl.ds(0, CHUNK)], sd0, sem_a)
    pltpu.async_copy(expv_hbm.at[pl.ds(0, CHUNK)], ex0, sem_a)

    @pl.loop(0, NCHUNK // 2)
    def _pair(m):
        k0 = 2 * m
        d1 = pltpu.async_copy(
            sdp_hbm.at[pl.ds((k0 + 1) * CHUNK, CHUNK)], sd1, sem_b)
        d2 = pltpu.async_copy(
            expv_hbm.at[pl.ds((k0 + 1) * CHUNK, CHUNK)], ex1, sem_b)
        pltpu.make_async_copy(
            sdp_hbm.at[pl.ds(k0 * CHUNK, CHUNK)], sd0, sem_a).wait()
        pltpu.make_async_copy(
            expv_hbm.at[pl.ds(k0 * CHUNK, CHUNK)], ex0, sem_a).wait()
        process(sd0, ex0)

        @pl.when(k0 + 2 < NCHUNK)
        def _prefetch():
            pltpu.async_copy(
                sdp_hbm.at[pl.ds((k0 + 2) * CHUNK, CHUNK)], sd0, sem_a)
            pltpu.async_copy(
                expv_hbm.at[pl.ds((k0 + 2) * CHUNK, CHUNK)], ex0, sem_a)

        d1.wait()
        d2.wait()
        process(sd1, ex1)

    for p in range(CPW // 2):
        pltpu.sync_copy(h_v.at[pl.ds((2 * p) * NP, NP)],
                        ht_hbm.at[p0 + p])
        pltpu.sync_copy(h_v.at[pl.ds((2 * p + 1) * NP, NP)],
                        ht_hbm.at[p0 + p + D // 2])


def _phase_b(wxp, sdp, expv):
    mesh = plsc.VectorSubcoreMesh(core_axis_name="c", subcore_axis_name="s")
    return pl.kernel(
        _phase_b_body,
        out_type=jax.ShapeDtypeStruct((D, NP), jnp.float32),
        mesh=mesh,
        compiler_params=pltpu.CompilerParams(needs_layout_passes=False),
        scratch_types=[
            pltpu.VMEM(((CPW // 2) * NP,), jnp.int32),
            pltpu.VMEM((CPW * NP,), jnp.float32),
            pltpu.VMEM((CHUNK,), jnp.int32),
            pltpu.VMEM((CHUNK,), jnp.int32),
            pltpu.VMEM((CHUNK,), jnp.float32),
            pltpu.VMEM((CHUNK,), jnp.float32),
            pltpu.SemaphoreType.DMA,
            pltpu.SemaphoreType.DMA,
        ],
    )(wxp, sdp, expv)


def _finish_body(ht_ref, sums_ref, out_ref):
    s = jnp.sum(sums_ref[...], axis=0)
    s = jnp.where(s == 0.0, 1.0, s)
    att = ht_ref[...] / s[None, :]
    z = att.T
    out_ref[...] = jnp.where(z > 0.0, z, jnp.exp(z) - 1.0)


def _finish(ht, sums):
    return pl.pallas_call(
        _finish_body,
        grid=(NBLK,),
        in_specs=[
            pl.BlockSpec((D, BN), lambda i: (0, i)),
            pl.BlockSpec((NW, BN), lambda i: (0, i)),
        ],
        out_specs=pl.BlockSpec((BN, D), lambda i: (i, 0)),
        out_shape=jax.ShapeDtypeStruct((N, D), jnp.float32),
    )(ht, sums)


def kernel(x, edge_index, W, a):
    src = edge_index[0]
    dst = edge_index[1]
    xp = jnp.zeros((NP, D), jnp.float32).at[:N].set(x)
    s1, s2, wxp = _prep(xp, W, a)
    expv, sums, sdp = _phase_a(s1, s2, src, dst)
    ht = _phase_b(wxp, sdp, expv)
    return _finish(ht, sums)

# --- scband reference (transcript-rebuilt; emitter-appended) ---
"""Pipeline reference for scband-gatlayer-59219009077969 (READ-ONLY COPY).

The authoritative reference and input builder live on the scoring server;
editing this copy changes nothing except your own understanding.
"""

import jax, jax.numpy as jnp
import numpy as np

N = 10000
E = 320000
D_IN = 128
D_OUT = 128
ALPHA = 0.2

def setup_inputs(seed: int = 0):
    key = jax.random.key(seed)
    k1, k2, k3, k4 = jax.random.split(key, 4)
    x = jax.random.normal(k1, (N, D_IN), dtype=jnp.float32)
    edge_index = jax.random.randint(k2, (2, E), 0, N, dtype=jnp.int32)
    # xavier_uniform with gain 1.414
    limW = 1.414 * np.sqrt(6.0 / (D_IN + D_OUT))
    W = jax.random.uniform(k3, (D_IN, D_OUT), dtype=jnp.float32, minval=-limW, maxval=limW)
    lima = 1.414 * np.sqrt(6.0 / (2 * D_OUT + 1))
    a = jax.random.uniform(k4, (2 * D_OUT, 1), dtype=jnp.float32, minval=-lima, maxval=lima)
    return {"x": x, "edge_index": edge_index, "W": W, "a": a}

def reference(x, edge_index, W, a):
    # eval mode: dropout is identity
    Wx = x @ W
    src = edge_index[0]
    dst = edge_index[1]
    Wx_i = jnp.take(Wx, src, axis=0)
    Wx_j = jnp.take(Wx, dst, axis=0)
    edge_features = jnp.concatenate([Wx_i, Wx_j], axis=1)
    e = jax.nn.leaky_relu((edge_features @ a)[:, 0], negative_slope=ALPHA)
    # sparse softmax over rows (row index = src)
    max_v = jax.ops.segment_max(e, src, num_segments=N)
    max_v = jnp.where(jnp.isinf(max_v), jnp.zeros_like(max_v), max_v)
    exp_v = jnp.exp(e - max_v[src])
    sum_v = jax.ops.segment_sum(exp_v, src, num_segments=N)
    sum_v = jnp.where(sum_v == 0, jnp.ones_like(sum_v), sum_v)
    attn = exp_v / sum_v[src]
    # sparse.mm(attention, Wx): h[row] = sum_edges attn * Wx[col]
    h_prime = jnp.zeros((N, D_OUT), dtype=Wx.dtype).at[src].add(attn[:, None] * Wx_j)
    return jax.nn.elu(h_prime)  # concat=True

if __name__ == "__main__":
    import jax
    _d = setup_inputs()
    print(jax.jit(kernel)(*tuple(_d.values())))

</pallas_src>

<mosaic_0001>
#map = affine_map<(d0, d1) -> (0, 0)>
#map1 = affine_map<(d0, d1) -> (0)>
module attributes {stable_mosaic.version = 14 : i64} {
  func.func @_phase_b_body(%arg0: i32, %arg1: i32, %arg2: memref<64x10240xi32, #tpu.memory_space<hbm>>, %arg3: memref<320000xi32, #tpu.memory_space<hbm>>, %arg4: memref<320000xf32, #tpu.memory_space<hbm>>, %arg5: memref<128x10240xf32, #tpu.memory_space<hbm>>, %arg6: memref<20480xi32, #tpu.memory_space<vmem>>, %arg7: memref<40960xf32, #tpu.memory_space<vmem>>, %arg8: memref<16000xi32, #tpu.memory_space<vmem>>, %arg9: memref<16000xi32, #tpu.memory_space<vmem>>, %arg10: memref<16000xf32, #tpu.memory_space<vmem>>, %arg11: memref<16000xf32, #tpu.memory_space<vmem>>, %arg12: memref<!tpu.dma_semaphore, #tpu.memory_space<semaphore_mem>>, %arg13: memref<!tpu.dma_semaphore, #tpu.memory_space<semaphore_mem>>) attributes {dimension_semantics = [#tpu.dimension_semantics<core_parallel>, #tpu.dimension_semantics<subcore_parallel>], iteration_bounds = array<i64: 2, 16>, scalar_prefetch = 0 : i64, scratch_operands = 8 : i64, tpu.core_type = #tpu.core_type<sc_vector_subcore>, window_params = [{transform_indices = #map}, {transform_indices = #map1}, {transform_indices = #map1}, {transform_indices = #map}]} {
    %mul3A = arith.constant 16 : i32
    %mul3A_0 = arith.muli %arg0, %mul3A : i32
    %add3A = arith.addi %mul3A_0, %arg1 : i32
    %mul3A_1 = arith.constant 2 : i32
    %mul3A_2 = arith.muli %add3A, %mul3A_1 : i32
    %add3A_3 = arith.constant 0 : i32
    %add3A_4 = arith.addi %mul3A_2, %add3A_3 : i32
    "tpu.region"() ({
      %run_scoped3A = tpu.sem_alloc : memref<!tpu.dma_semaphore, #tpu.memory_space<semaphore_mem>>
      %dma_start3A_36 = arith.constant 0 : i32
      %dma_start3A_37 = tpu.memref_slice %arg6[%dma_start3A_36] : memref<20480xi32, #tpu.memory_space<vmem>> -> memref<10240xi32, #tpu.memory_space<vmem>>
      %dma_start3A_38 = arith.constant 0 : i32
      %dma_start3A_39 = tpu.memref_slice %arg2[%add3A_4, %dma_start3A_38] : memref<64x10240xi32, #tpu.memory_space<hbm>> -> memref<1x10240xi32, #tpu.memory_space<hbm>>
      %dma_start3A_40 = tpu.memref_squeeze %dma_start3A_39 : memref<1x10240xi32, #tpu.memory_space<hbm>> -> memref<10240xi32, #tpu.memory_space<hbm>>
      %dma_start3A_41 = arith.constant 0 : i32
      %dma_start3A_42 = tpu.memref_slice %arg6[%dma_start3A_41] : memref<20480xi32, #tpu.memory_space<vmem>> -> memref<10240xi32, #tpu.memory_space<vmem>>
      %dma_start3A_43 = arith.constant 0 : i32
      %dma_start3A_44 = tpu.memref_slice %arg2[%add3A_4, %dma_start3A_43] : memref<64x10240xi32, #tpu.memory_space<hbm>> -> memref<1x10240xi32, #tpu.memory_space<hbm>>
      %dma_start3A_45 = tpu.memref_squeeze %dma_start3A_44 : memref<1x10240xi32, #tpu.memory_space<hbm>> -> memref<10240xi32, #tpu.memory_space<hbm>>
      tpu.enqueue_dma source(%dma_start3A_45 : memref<10240xi32, #tpu.memory_space<hbm>>) target(%dma_start3A_42 : memref<10240xi32, #tpu.memory_space<vmem>>) target_semaphore(%run_scoped3A : memref<!tpu.dma_semaphore, #tpu.memory_space<semaphore_mem>>)
      %dma_wait3A = arith.constant 0 : i32
      %dma_wait3A_46 = tpu.memref_slice %arg6[%dma_wait3A] : memref<20480xi32, #tpu.memory_space<vmem>> -> memref<10240xi32, #tpu.memory_space<vmem>>
      %dma_wait3A_47 = arith.constant 0 : i32
      %dma_wait3A_48 = tpu.memref_slice %arg2[%add3A_4, %dma_wait3A_47] : memref<64x10240xi32, #tpu.memory_space<hbm>> -> memref<1x10240xi32, #tpu.memory_space<hbm>>
      %dma_wait3A_49 = tpu.memref_squeeze %dma_wait3A_48 : memref<1x10240xi32, #tpu.memory_space<hbm>> -> memref<10240xi32, #tpu.memory_space<hbm>>
      %dma_wait3A_50 = arith.constant 0 : i32
      %dma_wait3A_51 = tpu.memref_slice %arg6[%dma_wait3A_50] : memref<20480xi32, #tpu.memory_space<vmem>> -> memref<10240xi32, #tpu.memory_space<vmem>>
      %dma_wait3A_52 = arith.constant 0 : i32
      %dma_wait3A_53 = tpu.memref_slice %arg2[%add3A_4, %dma_wait3A_52] : memref<64x10240xi32, #tpu.memory_space<hbm>> -> memref<1x10240xi32, #tpu.memory_space<hbm>>
      %dma_wait3A_54 = tpu.memref_squeeze %dma_wait3A_53 : memref<1x10240xi32, #tpu.memory_space<hbm>> -> memref<10240xi32, #tpu.memory_space<hbm>>
      tpu.wait_dma2 semaphore(%run_scoped3A : memref<!tpu.dma_semaphore, #tpu.memory_space<semaphore_mem>>) src(%dma_wait3A_54 : memref<10240xi32, #tpu.memory_space<hbm>>) dst(%dma_wait3A_51 : memref<10240xi32, #tpu.memory_space<vmem>>)
      tpu.yield
    }) : () -> ()
    %add3A_5 = arith.constant 1 : i32
    %add3A_6 = arith.addi %mul3A_2, %add3A_5 : i32
    "tpu.region"() ({
      %run_scoped3A = tpu.sem_alloc : memref<!tpu.dma_semaphore, #tpu.memory_space<semaphore_mem>>
      %dma_start3A_36 = arith.constant 10240 : i32
      %dma_start3A_37 = tpu.memref_slice %arg6[%dma_start3A_36] : memref<20480xi32, #tpu.memory_space<vmem>> -> memref<10240xi32, #tpu.memory_space<vmem>>
      %dma_start3A_38 = arith.constant 0 : i32
      %dma_start3A_39 = tpu.memref_slice %arg2[%add3A_6, %dma_start3A_38] : memref<64x10240xi32, #tpu.memory_space<hbm>> -> memref<1x10240xi32, #tpu.memory_space<hbm>>
      %dma_start3A_40 = tpu.memref_squeeze %dma_start3A_39 : memref<1x10240xi32, #tpu.memory_space<hbm>> -> memref<10240xi32, #tpu.memory_space<hbm>>
      %dma_start3A_41 = arith.constant 10240 : i32
      %dma_start3A_42 = tpu.memref_slice %arg6[%dma_start3A_41] : memref<20480xi32, #tpu.memory_space<vmem>> -> memref<10240xi32, #tpu.memory_space<vmem>>
      %dma_start3A_43 = arith.constant 0 : i32
      %dma_start3A_44 = tpu.memref_slice %arg2[%add3A_6, %dma_start3A_43] : memref<64x10240xi32, #tpu.memory_space<hbm>> -> memref<1x10240xi32, #tpu.memory_space<hbm>>
      %dma_start3A_45 = tpu.memref_squeeze %dma_start3A_44 : memref<1x10240xi32, #tpu.memory_space<hbm>> -> memref<10240xi32, #tpu.memory_space<hbm>>
      tpu.enqueue_dma source(%dma_start3A_45 : memref<10240xi32, #tpu.memory_space<hbm>>) target(%dma_start3A_42 : memref<10240xi32, #tpu.memory_space<vmem>>) target_semaphore(%run_scoped3A : memref<!tpu.dma_semaphore, #tpu.memory_space<semaphore_mem>>)
      %dma_wait3A = arith.constant 10240 : i32
      %dma_wait3A_46 = tpu.memref_slice %arg6[%dma_wait3A] : memref<20480xi32, #tpu.memory_space<vmem>> -> memref<10240xi32, #tpu.memory_space<vmem>>
      %dma_wait3A_47 = arith.constant 0 : i32
      %dma_wait3A_48 = tpu.memref_slice %arg2[%add3A_6, %dma_wait3A_47] : memref<64x10240xi32, #tpu.memory_space<hbm>> -> memref<1x10240xi32, #tpu.memory_space<hbm>>
      %dma_wait3A_49 = tpu.memref_squeeze %dma_wait3A_48 : memref<1x10240xi32, #tpu.memory_space<hbm>> -> memref<10240xi32, #tpu.memory_space<hbm>>
      %dma_wait3A_50 = arith.constant 10240 : i32
      %dma_wait3A_51 = tpu.memref_slice %arg6[%dma_wait3A_50] : memref<20480xi32, #tpu.memory_space<vmem>> -> memref<10240xi32, #tpu.memory_space<vmem>>
      %dma_wait3A_52 = arith.constant 0 : i32
      %dma_wait3A_53 = tpu.memref_slice %arg2[%add3A_6, %dma_wait3A_52] : memref<64x10240xi32, #tpu.memory_space<hbm>> -> memref<1x10240xi32, #tpu.memory_space<hbm>>
      %dma_wait3A_54 = tpu.memref_squeeze %dma_wait3A_53 : memref<1x10240xi32, #tpu.memory_space<hbm>> -> memref<10240xi32, #tpu.memory_space<hbm>>
      tpu.wait_dma2 semaphore(%run_scoped3A : memref<!tpu.dma_semaphore, #tpu.memory_space<semaphore_mem>>) src(%dma_wait3A_54 : memref<10240xi32, #tpu.memory_space<hbm>>) dst(%dma_wait3A_51 : memref<10240xi32, #tpu.memory_space<vmem>>)
      tpu.yield
    }) : () -> ()
    %broadcast_in_dim3A = arith.constant 0.000000e+00 : f32
    %broadcast_in_dim3A_7 = vector.broadcast %broadcast_in_dim3A : f32 to vector<16xf32>
    %scan3A = arith.constant 0 : i32
    %scan3A_8 = arith.constant 2560 : i32
    %scan3A_9 = arith.addi %scan3A, %scan3A_8 : i32
    %scan3A_10 = arith.constant 8 : i32
    scf.for %scan3A_36 = %scan3A to %scan3A_9 step %scan3A_10  : i32 {
      %mul3A_37 = arith.constant 1 : i32
      %mul3A_38 = arith.muli %scan3A_36, %mul3A_37 : i32
      %add3A_39 = arith.constant 0 : i32
      %add3A_40 = arith.addi %add3A_39, %mul3A_38 : i32
      %mul3A_41 = arith.constant 16 : i32
      %mul3A_42 = arith.muli %add3A_40, %mul3A_41 : i32
      %swap3A = arith.index_cast %mul3A_42 : i32 to index
      %swap3A_43 = tpu.vector_load %arg7[%swap3A] {strides = array<i32>} : memref<40960xf32, #tpu.memory_space<vmem>>, vector<16xf32>,
      tpu.vector_store %arg7[%swap3A], %broadcast_in_dim3A_7 {strides = array<i32>} : memref<40960xf32, #tpu.memory_space<vmem>>, vector<16xf32>,
      %scan3A_44 = arith.constant 1 : i32
      %scan3A_45 = arith.addi %scan3A_36, %scan3A_44 : i32
      %mul3A_46 = arith.constant 1 : i32
      %mul3A_47 = arith.muli %scan3A_45, %mul3A_46 : i32
      %add3A_48 = arith.constant 0 : i32
      %add3A_49 = arith.addi %add3A_48, %mul3A_47 : i32
      %mul3A_50 = arith.constant 16 : i32
      %mul3A_51 = arith.muli %add3A_49, %mul3A_50 : i32
      %swap3A_52 = arith.index_cast %mul3A_51 : i32 to index
      %swap3A_53 = tpu.vector_load %arg7[%swap3A_52] {strides = array<i32>} : memref<40960xf32, #tpu.memory_space<vmem>>, vector<16xf32>,
      tpu.vector_store %arg7[%swap3A_52], %broadcast_in_dim3A_7 {strides = array<i32>} : memref<40960xf32, #tpu.memory_space<vmem>>, vector<16xf32>,
      %scan3A_54 = arith.constant 2 : i32
      %scan3A_55 = arith.addi %scan3A_36, %scan3A_54 : i32
      %mul3A_56 = arith.constant 1 : i32
      %mul3A_57 = arith.muli %scan3A_55, %mul3A_56 : i32
      %add3A_58 = arith.constant 0 : i32
      %add3A_59 = arith.addi %add3A_58, %mul3A_57 : i32
      %mul3A_60 = arith.constant 16 : i32
      %mul3A_61 = arith.muli %add3A_59, %mul3A_60 : i32
      %swap3A_62 = arith.index_cast %mul3A_61 : i32 to index
      %swap3A_63 = tpu.vector_load %arg7[%swap3A_62] {strides = array<i32>} : memref<40960xf32, #tpu.memory_space<vmem>>, vector<16xf32>,
      tpu.vector_store %arg7[%swap3A_62], %broadcast_in_dim3A_7 {strides = array<i32>} : memref<40960xf32, #tpu.memory_space<vmem>>, vector<16xf32>,
      %scan3A_64 = arith.constant 3 : i32
      %scan3A_65 = arith.addi %scan3A_36, %scan3A_64 : i32
      %mul3A_66 = arith.constant 1 : i32
      %mul3A_67 = arith.muli %scan3A_65, %mul3A_66 : i32
      %add3A_68 = arith.constant 0 : i32
      %add3A_69 = arith.addi %add3A_68, %mul3A_67 : i32
      %mul3A_70 = arith.constant 16 : i32
      %mul3A_71 = arith.muli %add3A_69, %mul3A_70 : i32
      %swap3A_72 = arith.index_cast %mul3A_71 : i32 to index
      %swap3A_73 = tpu.vector_load %arg7[%swap3A_72] {strides = array<i32>} : memref<40960xf32, #tpu.memory_space<vmem>>, vector<16xf32>,
      tpu.vector_store %arg7[%swap3A_72], %broadcast_in_dim3A_7 {strides = array<i32>} : memref<40960xf32, #tpu.memory_space<vmem>>, vector<16xf32>,
      %scan3A_74 = arith.constant 4 : i32
      %scan3A_75 = arith.addi %scan3A_36, %scan3A_74 : i32
      %mul3A_76 = arith.constant 1 : i32
      %mul3A_77 = arith.muli %scan3A_75, %mul3A_76 : i32
      %add3A_78 = arith.constant 0 : i32
      %add3A_79 = arith.addi %add3A_78, %mul3A_77 : i32
      %mul3A_80 = arith.constant 16 : i32
      %mul3A_81 = arith.muli %add3A_79, %mul3A_80 : i32
      %swap3A_82 = arith.index_cast %mul3A_81 : i32 to index
      %swap3A_83 = tpu.vector_load %arg7[%swap3A_82] {strides = array<i32>} : memref<40960xf32, #tpu.memory_space<vmem>>, vector<16xf32>,
      tpu.vector_store %arg7[%swap3A_82], %broadcast_in_dim3A_7 {strides = array<i32>} : memref<40960xf32, #tpu.memory_space<vmem>>, vector<16xf32>,
      %scan3A_84 = arith.constant 5 : i32
      %scan3A_85 = arith.addi %scan3A_36, %scan3A_84 : i32
      %mul3A_86 = arith.constant 1 : i32
      %mul3A_87 = arith.muli %scan3A_85, %mul3A_86 : i32
      %add3A_88 = arith.constant 0 : i32
      %add3A_89 = arith.addi %add3A_88, %mul3A_87 : i32
      %mul3A_90 = arith.constant 16 : i32
      %mul3A_91 = arith.muli %add3A_89, %mul3A_90 : i32
      %swap3A_92 = arith.index_cast %mul3A_91 : i32 to index
      %swap3A_93 = tpu.vector_load %arg7[%swap3A_92] {strides = array<i32>} : memref<40960xf32, #tpu.memory_space<vmem>>, vector<16xf32>,
      tpu.vector_store %arg7[%swap3A_92], %broadcast_in_dim3A_7 {strides = array<i32>} : memref<40960xf32, #tpu.memory_space<vmem>>, vector<16xf32>,
      %scan3A_94 = arith.constant 6 : i32
      %scan3A_95 = arith.addi %scan3A_36, %scan3A_94 : i32
      %mul3A_96 = arith.constant 1 : i32
      %mul3A_97 = arith.muli %scan3A_95, %mul3A_96 : i32
      %add3A_98 = arith.constant 0 : i32
      %add3A_99 = arith.addi %add3A_98, %mul3A_97 : i32
      %mul3A_100 = arith.constant 16 : i32
      %mul3A_101 = arith.muli %add3A_99, %mul3A_100 : i32
      %swap3A_102 = arith.index_cast %mul3A_101 : i32 to index
      %swap3A_103 = tpu.vector_load %arg7[%swap3A_102] {strides = array<i32>} : memref<40960xf32, #tpu.memory_space<vmem>>, vector<16xf32>,
      tpu.vector_store %arg7[%swap3A_102], %broadcast_in_dim3A_7 {strides = array<i32>} : memref<40960xf32, #tpu.memory_space<vmem>>, vector<16xf32>,
      %scan3A_104 = arith.constant 7 : i32
      %scan3A_105 = arith.addi %scan3A_36, %scan3A_104 : i32
      %mul3A_106 = arith.constant 1 : i32
      %mul3A_107 = arith.muli %scan3A_105, %mul3A_106 : i32
      %add3A_108 = arith.constant 0 : i32
      %add3A_109 = arith.addi %add3A_108, %mul3A_107 : i32
      %mul3A_110 = arith.constant 16 : i32
      %mul3A_111 = arith.muli %add3A_109, %mul3A_110 : i32
      %swap3A_112 = arith.index_cast %mul3A_111 : i32 to index
      %swap3A_113 = tpu.vector_load %arg7[%swap3A_112] {strides = array<i32>} : memref<40960xf32, #tpu.memory_space<vmem>>, vector<16xf32>,
      tpu.vector_store %arg7[%swap3A_112], %broadcast_in_dim3A_7 {strides = array<i32>} : memref<40960xf32, #tpu.memory_space<vmem>>, vector<16xf32>,
    }
    %scan3A_11 = arith.constant 2560 : i32
    %dma_start3A = arith.constant 0 : i32
    %dma_start3A_12 = tpu.memref_slice %arg3[%dma_start3A] : memref<320000xi32, #tpu.memory_space<hbm>> -> memref<16000xi32, #tpu.memory_space<hbm>>
    %dma_start3A_13 = arith.constant 0 : i32
    %dma_start3A_14 = tpu.memref_slice %arg3[%dma_start3A_13] : memref<320000xi32, #tpu.memory_space<hbm>> -> memref<16000xi32, #tpu.memory_space<hbm>>
    tpu.enqueue_dma source(%dma_start3A_14 : memref<16000xi32, #tpu.memory_space<hbm>>) target(%arg8 : memref<16000xi32, #tpu.memory_space<vmem>>) target_semaphore(%arg12 : memref<!tpu.dma_semaphore, #tpu.memory_space<semaphore_mem>>)
    %dma_start3A_15 = arith.constant 0 : i32
    %dma_start3A_16 = tpu.memref_slice %arg4[%dma_start3A_15] : memref<320000xf32, #tpu.memory_space<hbm>> -> memref<16000xf32, #tpu.memory_space<hbm>>
    %dma_start3A_17 = arith.constant 0 : i32
    %dma_start3A_18 = tpu.memref_slice %arg4[%dma_start3A_17] : memref<320000xf32, #tpu.memory_space<hbm>> -> memref<16000xf32, #tpu.memory_space<hbm>>
    tpu.enqueue_dma source(%dma_start3A_18 : memref<16000xf32, #tpu.memory_space<hbm>>) target(%arg10 : memref<16000xf32, #tpu.memory_space<vmem>>) target_semaphore(%arg12 : memref<!tpu.dma_semaphore, #tpu.memory_space<semaphore_mem>>)
    %scan3A_19 = arith.constant 0 : i32
    %scan3A_20 = arith.constant 10 : i32
    %scan3A_21 = arith.addi %scan3A_19, %scan3A_20 : i32
    %scan3A_22 = arith.constant 1 : i32
    scf.for %scan3A_36 = %scan3A_19 to %scan3A_21 step %scan3A_22  : i32 {
      %mul3A_37 = arith.constant 1 : i32
      %mul3A_38 = arith.muli %scan3A_36, %mul3A_37 : i32
      %add3A_39 = arith.constant 0 : i32
      %add3A_40 = arith.addi %add3A_39, %mul3A_38 : i32
      %mul3A_41 = arith.constant 2 : i32
      %mul3A_42 = arith.muli %mul3A_41, %add3A_40 : i32
      %add3A_43 = arith.constant 1 : i32
      %add3A_44 = arith.addi %mul3A_42, %add3A_43 : i32
      %mul3A_45 = arith.constant 16000 : i32
      %mul3A_46 = arith.muli %add3A_44, %mul3A_45 : i32
      %dma_start3A_47 = tpu.memref_slice %arg3[%mul3A_46] : memref<320000xi32, #tpu.memory_space<hbm>> -> memref<16000xi32, #tpu.memory_space<hbm>>
      %dma_start3A_48 = tpu.memref_slice %arg3[%mul3A_46] : memref<320000xi32, #tpu.memory_space<hbm>> -> memref<16000xi32, #tpu.memory_space<hbm>>
      tpu.enqueue_dma source(%dma_start3A_48 : memref<16000xi32, #tpu.memory_space<hbm>>) target(%arg9 : memref<16000xi32, #tpu.memory_space<vmem>>) target_semaphore(%arg13 : memref<!tpu.dma_semaphore, #tpu.memory_space<semaphore_mem>>)
      %add3A_49 = arith.constant 1 : i32
      %add3A_50 = arith.addi %mul3A_42, %add3A_49 : i32
      %mul3A_51 = arith.constant 16000 : i32
      %mul3A_52 = arith.muli %add3A_50, %mul3A_51 : i32
      %dma_start3A_53 = tpu.memref_slice %arg4[%mul3A_52] : memref<320000xf32, #tpu.memory_space<hbm>> -> memref<16000xf32, #tpu.memory_space<hbm>>
      %dma_start3A_54 = tpu.memref_slice %arg4[%mul3A_52] : memref<320000xf32, #tpu.memory_space<hbm>> -> memref<16000xf32, #tpu.memory_space<hbm>>
      tpu.enqueue_dma source(%dma_start3A_54 : memref<16000xf32, #tpu.memory_space<hbm>>) target(%arg11 : memref<16000xf32, #tpu.memory_space<vmem>>) target_semaphore(%arg13 : memref<!tpu.dma_semaphore, #tpu.memory_space<semaphore_mem>>)
      %mul3A_55 = arith.constant 16000 : i32
      %mul3A_56 = arith.muli %mul3A_42, %mul3A_55 : i32
      %dma_wait3A = tpu.memref_slice %arg3[%mul3A_56] : memref<320000xi32, #tpu.memory_space<hbm>> -> memref<16000xi32, #tpu.memory_space<hbm>>
      %dma_wait3A_57 = tpu.memref_slice %arg3[%mul3A_56] : memref<320000xi32, #tpu.memory_space<hbm>> -> memref<16000xi32, #tpu.memory_space<hbm>>
      tpu.wait_dma2 semaphore(%arg12 : memref<!tpu.dma_semaphore, #tpu.memory_space<semaphore_mem>>) src(%dma_wait3A_57 : memref<16000xi32, #tpu.memory_space<hbm>>) dst(%arg8 : memref<16000xi32, #tpu.memory_space<vmem>>)
      %mul3A_58 = arith.constant 16000 : i32
      %mul3A_59 = arith.muli %mul3A_42, %mul3A_58 : i32
      %dma_wait3A_60 = tpu.memref_slice %arg4[%mul3A_59] : memref<320000xf32, #tpu.memory_space<hbm>> -> memref<16000xf32, #tpu.memory_space<hbm>>
      %dma_wait3A_61 = tpu.memref_slice %arg4[%mul3A_59] : memref<320000xf32, #tpu.memory_space<hbm>> -> memref<16000xf32, #tpu.memory_space<hbm>>
      tpu.wait_dma2 semaphore(%arg12 : memref<!tpu.dma_semaphore, #tpu.memory_space<semaphore_mem>>) src(%dma_wait3A_61 : memref<16000xf32, #tpu.memory_space<hbm>>) dst(%arg10 : memref<16000xf32, #tpu.memory_space<vmem>>)
      %parallel_loop3A = arith.constant 0 : i32
      %parallel_loop3A_62 = arith.constant 1000 : i32
      %parallel_loop3A_63 = arith.constant 1 : i32
      scf.for %parallel_loop3A_75 = %parallel_loop3A to %parallel_loop3A_62 step %parallel_loop3A_63  : i32 {
        %parallel_loop3A_76 = arith.constant 16 : i32
        %parallel_loop3A_77 = arith.muli %parallel_loop3A_75, %parallel_loop3A_76 : i32
        %parallel_loop3A_78 = arith.index_cast %parallel_loop3A_77 : i32 to index
        %parallel_loop3A_79 = tpu.vector_load %arg8[%parallel_loop3A_78] {strides = array<i32>} : memref<16000xi32, #tpu.memory_space<vmem>>, vector<16xi32>,
        %parallel_loop3A_80 = arith.index_cast %parallel_loop3A_77 : i32 to index
        %parallel_loop3A_81 = tpu.vector_load %arg10[%parallel_loop3A_80] {strides = array<i32>} : memref<16000xf32, #tpu.memory_space<vmem>>, vector<16xf32>,
        %parallel_loop3A_82 = arith.constant 65535 : i32
        %parallel_loop3A_83 = vector.broadcast %parallel_loop3A_82 : i32 to vector<16xi32>
        %parallel_loop3A_84 = arith.andi %parallel_loop3A_79, %parallel_loop3A_83 : vector<16xi32>
        %parallel_loop3A_85 = arith.constant 16 : i32
        %parallel_loop3A_86 = vector.broadcast %parallel_loop3A_85 : i32 to vector<16xi32>
        %parallel_loop3A_87 = arith.shrui %parallel_loop3A_79, %parallel_loop3A_86 : vector<16xi32>
        %parallel_loop3A_88 = arith.constant 0 : i32
        %parallel_loop3A_89 = vector.broadcast %parallel_loop3A_88 : i32 to vector<16xi32>
        %parallel_loop3A_90 = arith.addi %parallel_loop3A_87, %parallel_loop3A_89 : vector<16xi32>
        %parallel_loop3A_91 = tpu.vector_load_idx %arg6[%parallel_loop3A_90] : memref<20480xi32, #tpu.memory_space<vmem>>[vector<16xi32>], vector<16xi32>,
        %parallel_loop3A_92 = arith.constant 10240 : i32
        %parallel_loop3A_93 = vector.broadcast %parallel_loop3A_92 : i32 to vector<16xi32>
        %parallel_loop3A_94 = arith.addi %parallel_loop3A_87, %parallel_loop3A_93 : vector<16xi32>
        %parallel_loop3A_95 = tpu.vector_load_idx %arg6[%parallel_loop3A_94] : memref<20480xi32, #tpu.memory_space<vmem>>[vector<16xi32>], vector<16xi32>,
        %parallel_loop3A_96 = vector.bitcast %parallel_loop3A_91 : vector<16xi32> to vector<32xbf16>
        %parallel_loop3A_97 = tpu.unpack_subelements %parallel_loop3A_96, 0 {pack_format = #tpu.pack_format<interleaved>} : vector<32xbf16> -> vector<16xf32>
        %parallel_loop3A_98 = tpu.unpack_subelements %parallel_loop3A_96, 1 {pack_format = #tpu.pack_format<interleaved>} : vector<32xbf16> -> vector<16xf32>
        %parallel_loop3A_99 = arith.mulf %parallel_loop3A_81, %parallel_loop3A_97 : vector<16xf32>
        %parallel_loop3A_100 = arith.mulf %parallel_loop3A_81, %parallel_loop3A_98 : vector<16xf32>
        %parallel_loop3A_101 = vector.bitcast %parallel_loop3A_95 : vector<16xi32> to vector<32xbf16>
        %parallel_loop3A_102 = tpu.unpack_subelements %parallel_loop3A_101, 0 {pack_format = #tpu.pack_format<interleaved>} : vector<32xbf16> -> vector<16xf32>
        %parallel_loop3A_103 = tpu.unpack_subelements %parallel_loop3A_101, 1 {pack_format = #tpu.pack_format<interleaved>} : vector<32xbf16> -> vector<16xf32>
        %parallel_loop3A_104 = arith.mulf %parallel_loop3A_81, %parallel_loop3A_102 : vector<16xf32>
        %parallel_loop3A_105 = arith.mulf %parallel_loop3A_81, %parallel_loop3A_103 : vector<16xf32>
        %parallel_loop3A_106 = arith.constant 0 : i32
        %parallel_loop3A_107 = vector.broadcast %parallel_loop3A_106 : i32 to vector<16xi32>
        %parallel_loop3A_108 = arith.addi %parallel_loop3A_84, %parallel_loop3A_107 : vector<16xi32>
        tpu.vector_store_idx %arg7[%parallel_loop3A_108], %parallel_loop3A_99 {add = true} : memref<40960xf32, #tpu.memory_space<vmem>>[vector<16xi32>], vector<16xf32>,
        %parallel_loop3A_109 = arith.constant 10240 : i32
        %parallel_loop3A_110 = vector.broadcast %parallel_loop3A_109 : i32 to vector<16xi32>
        %parallel_loop3A_111 = arith.addi %parallel_loop3A_84, %parallel_loop3A_110 : vector<16xi32>
        tpu.vector_store_idx %arg7[%parallel_loop3A_111], %parallel_loop3A_100 {add = true} : memref<40960xf32, #tpu.memory_space<vmem>>[vector<16xi32>], vector<16xf32>,
        %parallel_loop3A_112 = arith.constant 20480 : i32
        %parallel_loop3A_113 = vector.broadcast %parallel_loop3A_112 : i32 to vector<16xi32>
        %parallel_loop3A_114 = arith.addi %parallel_loop3A_84, %parallel_loop3A_113 : vector<16xi32>
        tpu.vector_store_idx %arg7[%parallel_loop3A_114], %parallel_loop3A_104 {add = true} : memref<40960xf32, #tpu.memory_space<vmem>>[vector<16xi32>], vector<16xf32>,
        %parallel_loop3A_115 = arith.constant 30720 : i32
        %parallel_loop3A_116 = vector.broadcast %parallel_loop3A_115 : i32 to vector<16xi32>
        %parallel_loop3A_117 = arith.addi %parallel_loop3A_84, %parallel_loop3A_116 : vector<16xi32>
        tpu.vector_store_idx %arg7[%parallel_loop3A_117], %parallel_loop3A_105 {add = true} : memref<40960xf32, #tpu.memory_space<vmem>>[vector<16xi32>], vector<16xf32>,
      } {sc.loop_unroll_factor = 8 : i64, sc.parallel_access}
      %add3A_64 = arith.constant 2 : i32
      %add3A_65 = arith.addi %mul3A_42, %add3A_64 : i32
      %lt3A = arith.constant 20 : i32
      %lt3A_66 = arith.cmpi slt, %add3A_65, %lt3A : i32
      %convert_element_type3A = arith.extui %lt3A_66 : i1 to i32
      %cond3A = arith.constant 0 : i32
      %cond3A_67 = arith.cmpi ne, %convert_element_type3A, %cond3A : i32
      scf.if %cond3A_67 {
        %add3A_75 = arith.constant 2 : i32
        %add3A_76 = arith.addi %mul3A_42, %add3A_75 : i32
        %mul3A_77 = arith.constant 16000 : i32
        %mul3A_78 = arith.muli %add3A_76, %mul3A_77 : i32
        %dma_start3A_79 = tpu.memref_slice %arg3[%mul3A_78] : memref<320000xi32, #tpu.memory_space<hbm>> -> memref<16000xi32, #tpu.memory_space<hbm>>
        %dma_start3A_80 = tpu.memref_slice %arg3[%mul3A_78] : memref<320000xi32, #tpu.memory_space<hbm>> -> memref<16000xi32, #tpu.memory_space<hbm>>
        tpu.enqueue_dma source(%dma_start3A_80 : memref<16000xi32, #tpu.memory_space<hbm>>) target(%arg8 : memref<16000xi32, #tpu.memory_space<vmem>>) target_semaphore(%arg12 : memref<!tpu.dma_semaphore, #tpu.memory_space<semaphore_mem>>)
        %add3A_81 = arith.constant 2 : i32
        %add3A_82 = arith.addi %mul3A_42, %add3A_81 : i32
        %mul3A_83 = arith.constant 16000 : i32
        %mul3A_84 = arith.muli %add3A_82, %mul3A_83 : i32
        %dma_start3A_85 = tpu.memref_slice %arg4[%mul3A_84] : memref<320000xf32, #tpu.memory_space<hbm>> -> memref<16000xf32, #tpu.memory_space<hbm>>
        %dma_start3A_86 = tpu.memref_slice %arg4[%mul3A_84] : memref<320000xf32, #tpu.memory_space<hbm>> -> memref<16000xf32, #tpu.memory_space<hbm>>
        tpu.enqueue_dma source(%dma_start3A_86 : memref<16000xf32, #tpu.memory_space<hbm>>) target(%arg10 : memref<16000xf32, #tpu.memory_space<vmem>>) target_semaphore(%arg12 : memref<!tpu.dma_semaphore, #tpu.memory_space<semaphore_mem>>)
      } else {
      }
      %dma_wait3A_68 = tpu.memref_slice %arg3[%mul3A_46] : memref<320000xi32, #tpu.memory_space<hbm>> -> memref<16000xi32, #tpu.memory_space<hbm>>
      %dma_wait3A_69 = tpu.memref_slice %arg3[%mul3A_46] : memref<320000xi32, #tpu.memory_space<hbm>> -> memref<16000xi32, #tpu.memory_space<hbm>>
      tpu.wait_dma2 semaphore(%arg13 : memref<!tpu.dma_semaphore, #tpu.memory_space<semaphore_mem>>) src(%dma_wait3A_69 : memref<16000xi32, #tpu.memory_space<hbm>>) dst(%arg9 : memref<16000xi32, #tpu.memory_space<vmem>>)
      %dma_wait3A_70 = tpu.memref_slice %arg4[%mul3A_52] : memref<320000xf32, #tpu.memory_space<hbm>> -> memref<16000xf32, #tpu.memory_space<hbm>>
      %dma_wait3A_71 = tpu.memref_slice %arg4[%mul3A_52] : memref<320000xf32, #tpu.memory_space<hbm>> -> memref<16000xf32, #tpu.memory_space<hbm>>
      tpu.wait_dma2 semaphore(%arg13 : memref<!tpu.dma_semaphore, #tpu.memory_space<semaphore_mem>>) src(%dma_wait3A_71 : memref<16000xf32, #tpu.memory_space<hbm>>) dst(%arg11 : memref<16000xf32, #tpu.memory_space<vmem>>)
      %parallel_loop3A_72 = arith.constant 0 : i32
      %parallel_loop3A_73 = arith.constant 1000 : i32
      %parallel_loop3A_74 = arith.constant 1 : i32
      scf.for %parallel_loop3A_75 = %parallel_loop3A_72 to %parallel_loop3A_73 step %parallel_loop3A_74  : i32 {
        %parallel_loop3A_76 = arith.constant 16 : i32
        %parallel_loop3A_77 = arith.muli %parallel_loop3A_75, %parallel_loop3A_76 : i32
        %parallel_loop3A_78 = arith.index_cast %parallel_loop3A_77 : i32 to index
        %parallel_loop3A_79 = tpu.vector_load %arg9[%parallel_loop3A_78] {strides = array<i32>} : memref<16000xi32, #tpu.memory_space<vmem>>, vector<16xi32>,
        %parallel_loop3A_80 = arith.index_cast %parallel_loop3A_77 : i32 to index
        %parallel_loop3A_81 = tpu.vector_load %arg11[%parallel_loop3A_80] {strides = array<i32>} : memref<16000xf32, #tpu.memory_space<vmem>>, vector<16xf32>,
        %parallel_loop3A_82 = arith.constant 65535 : i32
        %parallel_loop3A_83 = vector.broadcast %parallel_loop3A_82 : i32 to vector<16xi32>
        %parallel_loop3A_84 = arith.andi %parallel_loop3A_79, %parallel_loop3A_83 : vector<16xi32>
        %parallel_loop3A_85 = arith.constant 16 : i32
        %parallel_loop3A_86 = vector.broadcast %parallel_loop3A_85 : i32 to vector<16xi32>
        %parallel_loop3A_87 = arith.shrui %parallel_loop3A_79, %parallel_loop3A_86 : vector<16xi32>
        %parallel_loop3A_88 = arith.constant 0 : i32
        %parallel_loop3A_89 = vector.broadcast %parallel_loop3A_88 : i32 to vector<16xi32>
        %parallel_loop3A_90 = arith.addi %parallel_loop3A_87, %parallel_loop3A_89 : vector<16xi32>
        %parallel_loop3A_91 = tpu.vector_load_idx %arg6[%parallel_loop3A_90] : memref<20480xi32, #tpu.memory_space<vmem>>[vector<16xi32>], vector<16xi32>,
        %parallel_loop3A_92 = arith.constant 10240 : i32
        %parallel_loop3A_93 = vector.broadcast %parallel_loop3A_92 : i32 to vector<16xi32>
        %parallel_loop3A_94 = arith.addi %parallel_loop3A_87, %parallel_loop3A_93 : vector<16xi32>
        %parallel_loop3A_95 = tpu.vector_load_idx %arg6[%parallel_loop3A_94] : memref<20480xi32, #tpu.memory_space<vmem>>[vector<16xi32>], vector<16xi32>,
        %parallel_loop3A_96 = vector.bitcast %parallel_loop3A_91 : vector<16xi32> to vector<32xbf16>
        %parallel_loop3A_97 = tpu.unpack_subelements %parallel_loop3A_96, 0 {pack_format = #tpu.pack_format<interleaved>} : vector<32xbf16> -> vector<16xf32>
        %parallel_loop3A_98 = tpu.unpack_subelements %parallel_loop3A_96, 1 {pack_format = #tpu.pack_format<interleaved>} : vector<32xbf16> -> vector<16xf32>
        %parallel_loop3A_99 = arith.mulf %parallel_loop3A_81, %parallel_loop3A_97 : vector<16xf32>
        %parallel_loop3A_100 = arith.mulf %parallel_loop3A_81, %parallel_loop3A_98 : vector<16xf32>
        %parallel_loop3A_101 = vector.bitcast %parallel_loop3A_95 : vector<16xi32> to vector<32xbf16>
        %parallel_loop3A_102 = tpu.unpack_subelements %parallel_loop3A_101, 0 {pack_format = #tpu.pack_format<interleaved>} : vector<32xbf16> -> vector<16xf32>
        %parallel_loop3A_103 = tpu.unpack_subelements %parallel_loop3A_101, 1 {pack_format = #tpu.pack_format<interleaved>} : vector<32xbf16> -> vector<16xf32>
        %parallel_loop3A_104 = arith.mulf %parallel_loop3A_81, %parallel_loop3A_102 : vector<16xf32>
        %parallel_loop3A_105 = arith.mulf %parallel_loop3A_81, %parallel_loop3A_103 : vector<16xf32>
        %parallel_loop3A_106 = arith.constant 0 : i32
        %parallel_loop3A_107 = vector.broadcast %parallel_loop3A_106 : i32 to vector<16xi32>
        %parallel_loop3A_108 = arith.addi %parallel_loop3A_84, %parallel_loop3A_107 : vector<16xi32>
        tpu.vector_store_idx %arg7[%parallel_loop3A_108], %parallel_loop3A_99 {add = true} : memref<40960xf32, #tpu.memory_space<vmem>>[vector<16xi32>], vector<16xf32>,
        %parallel_loop3A_109 = arith.constant 10240 : i32
        %parallel_loop3A_110 = vector.broadcast %parallel_loop3A_109 : i32 to vector<16xi32>
        %parallel_loop3A_111 = arith.addi %parallel_loop3A_84, %parallel_loop3A_110 : vector<16xi32>
        tpu.vector_store_idx %arg7[%parallel_loop3A_111], %parallel_loop3A_100 {add = true} : memref<40960xf32, #tpu.memory_space<vmem>>[vector<16xi32>], vector<16xf32>,
        %parallel_loop3A_112 = arith.constant 20480 : i32
        %parallel_loop3A_113 = vector.broadcast %parallel_loop3A_112 : i32 to vector<16xi32>
        %parallel_loop3A_114 = arith.addi %parallel_loop3A_84, %parallel_loop3A_113 : vector<16xi32>
        tpu.vector_store_idx %arg7[%parallel_loop3A_114], %parallel_loop3A_104 {add = true} : memref<40960xf32, #tpu.memory_space<vmem>>[vector<16xi32>], vector<16xf32>,
        %parallel_loop3A_115 = arith.constant 30720 : i32
        %parallel_loop3A_116 = vector.broadcast %parallel_loop3A_115 : i32 to vector<16xi32>
        %parallel_loop3A_117 = arith.addi %parallel_loop3A_84, %parallel_loop3A_116 : vector<16xi32>
        tpu.vector_store_idx %arg7[%parallel_loop3A_117], %parallel_loop3A_105 {add = true} : memref<40960xf32, #tpu.memory_space<vmem>>[vector<16xi32>], vector<16xf32>,
      } {sc.loop_unroll_factor = 8 : i64, sc.parallel_access}
    }
    %scan3A_23 = arith.constant 10 : i32
    %add3A_24 = arith.constant 0 : i32
    %add3A_25 = arith.addi %mul3A_2, %add3A_24 : i32
    "tpu.region"() ({
      %run_scoped3A = tpu.sem_alloc : memref<!tpu.dma_semaphore, #tpu.memory_space<semaphore_mem>>
      %dma_start3A_36 = arith.constant 0 : i32
      %dma_start3A_37 = tpu.memref_slice %arg7[%dma_start3A_36] : memref<40960xf32, #tpu.memory_space<vmem>> -> memref<10240xf32, #tpu.memory_space<vmem>>
      %dma_start3A_38 = arith.constant 0 : i32
      %dma_start3A_39 = tpu.memref_slice %arg5[%add3A_25, %dma_start3A_38] : memref<128x10240xf32, #tpu.memory_space<hbm>> -> memref<1x10240xf32, #tpu.memory_space<hbm>>
      %dma_start3A_40 = tpu.memref_squeeze %dma_start3A_39 : memref<1x10240xf32, #tpu.memory_space<hbm>> -> memref<10240xf32, #tpu.memory_space<hbm>>
      %dma_start3A_41 = arith.constant 0 : i32
      %dma_start3A_42 = tpu.memref_slice %arg5[%add3A_25, %dma_start3A_41] : memref<128x10240xf32, #tpu.memory_space<hbm>> -> memref<1x10240xf32, #tpu.memory_space<hbm>>
      %dma_start3A_43 = tpu.memref_squeeze %dma_start3A_42 : memref<1x10240xf32, #tpu.memory_space<hbm>> -> memref<10240xf32, #tpu.memory_space<hbm>>
      %dma_start3A_44 = arith.constant 0 : i32
      %dma_start3A_45 = tpu.memref_slice %arg7[%dma_start3A_44] : memref<40960xf32, #tpu.memory_space<vmem>> -> memref<10240xf32, #tpu.memory_space<vmem>>
      tpu.enqueue_dma source(%dma_start3A_45 : memref<10240xf32, #tpu.memory_space<vmem>>) target(%dma_start3A_43 : memref<10240xf32, #tpu.memory_space<hbm>>) target_semaphore(%run_scoped3A : memref<!tpu.dma_semaphore, #tpu.memory_space<semaphore_mem>>)
      %dma_wait3A = arith.constant 0 : i32
      %dma_wait3A_46 = tpu.memref_slice %arg7[%dma_wait3A] : memref<40960xf32, #tpu.memory_space<vmem>> -> memref<10240xf32, #tpu.memory_space<vmem>>
      %dma_wait3A_47 = arith.constant 0 : i32
      %dma_wait3A_48 = tpu.memref_slice %arg5[%add3A_25, %dma_wait3A_47] : memref<128x10240xf32, #tpu.memory_space<hbm>> -> memref<1x10240xf32, #tpu.memory_space<hbm>>
      %dma_wait3A_49 = tpu.memref_squeeze %dma_wait3A_48 : memref<1x10240xf32, #tpu.memory_space<hbm>> -> memref<10240xf32, #tpu.memory_space<hbm>>
      %dma_wait3A_50 = arith.constant 0 : i32
      %dma_wait3A_51 = tpu.memref_slice %arg5[%add3A_25, %dma_wait3A_50] : memref<128x10240xf32, #tpu.memory_space<hbm>> -> memref<1x10240xf32, #tpu.memory_space<hbm>>
      %dma_wait3A_52 = tpu.memref_squeeze %dma_wait3A_51 : memref<1x10240xf32, #tpu.memory_space<hbm>> -> memref<10240xf32, #tpu.memory_space<hbm>>
      %dma_wait3A_53 = arith.constant 0 : i32
      %dma_wait3A_54 = tpu.memref_slice %arg7[%dma_wait3A_53] : memref<40960xf32, #tpu.memory_space<vmem>> -> memref<10240xf32, #tpu.memory_space<vmem>>
      tpu.wait_dma2 semaphore(%run_scoped3A : memref<!tpu.dma_semaphore, #tpu.memory_space<semaphore_mem>>) src(%dma_wait3A_54 : memref<10240xf32, #tpu.memory_space<vmem>>) dst(%dma_wait3A_52 : memref<10240xf32, #tpu.memory_space<hbm>>)
      tpu.yield
    }) : () -> ()
    %add3A_26 = arith.constant 0 : i32
    %add3A_27 = arith.addi %mul3A_2, %add3A_26 : i32
    %add3A_28 = arith.constant 64 : i32
    %add3A_29 = arith.addi %add3A_27, %add3A_28 : i32
    "tpu.region"() ({
      %run_scoped3A = tpu.sem_alloc : memref<!tpu.dma_semaphore, #tpu.memory_space<semaphore_mem>>
      %dma_start3A_36 = arith.constant 10240 : i32
      %dma_start3A_37 = tpu.memref_slice %arg7[%dma_start3A_36] : memref<40960xf32, #tpu.memory_space<vmem>> -> memref<10240xf32, #tpu.memory_space<vmem>>
      %dma_start3A_38 = arith.constant 0 : i32
      %dma_start3A_39 = tpu.memref_slice %arg5[%add3A_29, %dma_start3A_38] : memref<128x10240xf32, #tpu.memory_space<hbm>> -> memref<1x10240xf32, #tpu.memory_space<hbm>>
      %dma_start3A_40 = tpu.memref_squeeze %dma_start3A_39 : memref<1x10240xf32, #tpu.memory_space<hbm>> -> memref<10240xf32, #tpu.memory_space<hbm>>
      %dma_start3A_41 = arith.constant 0 : i32
      %dma_start3A_42 = tpu.memref_slice %arg5[%add3A_29, %dma_start3A_41] : memref<128x10240xf32, #tpu.memory_space<hbm>> -> memref<1x10240xf32, #tpu.memory_space<hbm>>
      %dma_start3A_43 = tpu.memref_squeeze %dma_start3A_42 : memref<1x10240xf32, #tpu.memory_space<hbm>> -> memref<10240xf32, #tpu.memory_space<hbm>>
      %dma_start3A_44 = arith.constant 10240 : i32
      %dma_start3A_45 = tpu.memref_slice %arg7[%dma_start3A_44] : memref<40960xf32, #tpu.memory_space<vmem>> -> memref<10240xf32, #tpu.memory_space<vmem>>
      tpu.enqueue_dma source(%dma_start3A_45 : memref<10240xf32, #tpu.memory_space<vmem>>) target(%dma_start3A_43 : memref<10240xf32, #tpu.memory_space<hbm>>) target_semaphore(%run_scoped3A : memref<!tpu.dma_semaphore, #tpu.memory_space<semaphore_mem>>)
      %dma_wait3A = arith.constant 10240 : i32
      %dma_wait3A_46 = tpu.memref_slice %arg7[%dma_wait3A] : memref<40960xf32, #tpu.memory_space<vmem>> -> memref<10240xf32, #tpu.memory_space<vmem>>
      %dma_wait3A_47 = arith.constant 0 : i32
      %dma_wait3A_48 = tpu.memref_slice %arg5[%add3A_29, %dma_wait3A_47] : memref<128x10240xf32, #tpu.memory_space<hbm>> -> memref<1x10240xf32, #tpu.memory_space<hbm>>
      %dma_wait3A_49 = tpu.memref_squeeze %dma_wait3A_48 : memref<1x10240xf32, #tpu.memory_space<hbm>> -> memref<10240xf32, #tpu.memory_space<hbm>>
      %dma_wait3A_50 = arith.constant 0 : i32
      %dma_wait3A_51 = tpu.memref_slice %arg5[%add3A_29, %dma_wait3A_50] : memref<128x10240xf32, #tpu.memory_space<hbm>> -> memref<1x10240xf32, #tpu.memory_space<hbm>>
      %dma_wait3A_52 = tpu.memref_squeeze %dma_wait3A_51 : memref<1x10240xf32, #tpu.memory_space<hbm>> -> memref<10240xf32, #tpu.memory_space<hbm>>
      %dma_wait3A_53 = arith.constant 10240 : i32
      %dma_wait3A_54 = tpu.memref_slice %arg7[%dma_wait3A_53] : memref<40960xf32, #tpu.memory_space<vmem>> -> memref<10240xf32, #tpu.memory_space<vmem>>
      tpu.wait_dma2 semaphore(%run_scoped3A : memref<!tpu.dma_semaphore, #tpu.memory_space<semaphore_mem>>) src(%dma_wait3A_54 : memref<10240xf32, #tpu.memory_space<vmem>>) dst(%dma_wait3A_52 : memref<10240xf32, #tpu.memory_space<hbm>>)
      tpu.yield
    }) : () -> ()
    %add3A_30 = arith.constant 1 : i32
    %add3A_31 = arith.addi %mul3A_2, %add3A_30 : i32
    "tpu.region"() ({
      %run_scoped3A = tpu.sem_alloc : memref<!tpu.dma_semaphore, #tpu.memory_space<semaphore_mem>>
      %dma_start3A_36 = arith.constant 20480 : i32
      %dma_start3A_37 = tpu.memref_slice %arg7[%dma_start3A_36] : memref<40960xf32, #tpu.memory_space<vmem>> -> memref<10240xf32, #tpu.memory_space<vmem>>
      %dma_start3A_38 = arith.constant 0 : i32
      %dma_start3A_39 = tpu.memref_slice %arg5[%add3A_31, %dma_start3A_38] : memref<128x10240xf32, #tpu.memory_space<hbm>> -> memref<1x10240xf32, #tpu.memory_space<hbm>>
      %dma_start3A_40 = tpu.memref_squeeze %dma_start3A_39 : memref<1x10240xf32, #tpu.memory_space<hbm>> -> memref<10240xf32, #tpu.memory_space<hbm>>
      %dma_start3A_41 = arith.constant 0 : i32
      %dma_start3A_42 = tpu.memref_slice %arg5[%add3A_31, %dma_start3A_41] : memref<128x10240xf32, #tpu.memory_space<hbm>> -> memref<1x10240xf32, #tpu.memory_space<hbm>>
      %dma_start3A_43 = tpu.memref_squeeze %dma_start3A_42 : memref<1x10240xf32, #tpu.memory_space<hbm>> -> memref<10240xf32, #tpu.memory_space<hbm>>
      %dma_start3A_44 = arith.constant 20480 : i32
      %dma_start3A_45 = tpu.memref_slice %arg7[%dma_start3A_44] : memref<40960xf32, #tpu.memory_space<vmem>> -> memref<10240xf32, #tpu.memory_space<vmem>>
      tpu.enqueue_dma source(%dma_start3A_45 : memref<10240xf32, #tpu.memory_space<vmem>>) target(%dma_start3A_43 : memref<10240xf32, #tpu.memory_space<hbm>>) target_semaphore(%run_scoped3A : memref<!tpu.dma_semaphore, #tpu.memory_space<semaphore_mem>>)
      %dma_wait3A = arith.constant 20480 : i32
      %dma_wait3A_46 = tpu.memref_slice %arg7[%dma_wait3A] : memref<40960xf32, #tpu.memory_space<vmem>> -> memref<10240xf32, #tpu.memory_space<vmem>>
      %dma_wait3A_47 = arith.constant 0 : i32
      %dma_wait3A_48 = tpu.memref_slice %arg5[%add3A_31, %dma_wait3A_47] : memref<128x10240xf32, #tpu.memory_space<hbm>> -> memref<1x10240xf32, #tpu.memory_space<hbm>>
      %dma_wait3A_49 = tpu.memref_squeeze %dma_wait3A_48 : memref<1x10240xf32, #tpu.memory_space<hbm>> -> memref<10240xf32, #tpu.memory_space<hbm>>
      %dma_wait3A_50 = arith.constant 0 : i32
      %dma_wait3A_51 = tpu.memref_slice %arg5[%add3A_31, %dma_wait3A_50] : memref<128x10240xf32, #tpu.memory_space<hbm>> -> memref<1x10240xf32, #tpu.memory_space<hbm>>
      %dma_wait3A_52 = tpu.memref_squeeze %dma_wait3A_51 : memref<1x10240xf32, #tpu.memory_space<hbm>> -> memref<10240xf32, #tpu.memory_space<hbm>>
      %dma_wait3A_53 = arith.constant 20480 : i32
      %dma_wait3A_54 = tpu.memref_slice %arg7[%dma_wait3A_53] : memref<40960xf32, #tpu.memory_space<vmem>> -> memref<10240xf32, #tpu.memory_space<vmem>>
      tpu.wait_dma2 semaphore(%run_scoped3A : memref<!tpu.dma_semaphore, #tpu.memory_space<semaphore_mem>>) src(%dma_wait3A_54 : memref<10240xf32, #tpu.memory_space<vmem>>) dst(%dma_wait3A_52 : memref<10240xf32, #tpu.memory_space<hbm>>)
      tpu.yield
    }) : () -> ()
    %add3A_32 = arith.constant 1 : i32
    %add3A_33 = arith.addi %mul3A_2, %add3A_32 : i32
    %add3A_34 = arith.constant 64 : i32
    %add3A_35 = arith.addi %add3A_33, %add3A_34 : i32
    "tpu.region"() ({
      %run_scoped3A = tpu.sem_alloc : memref<!tpu.dma_semaphore, #tpu.memory_space<semaphore_mem>>
      %dma_start3A_36 = arith.constant 30720 : i32
      %dma_start3A_37 = tpu.memref_slice %arg7[%dma_start3A_36] : memref<40960xf32, #tpu.memory_space<vmem>> -> memref<10240xf32, #tpu.memory_space<vmem>>
      %dma_start3A_38 = arith.constant 0 : i32
      %dma_start3A_39 = tpu.memref_slice %arg5[%add3A_35, %dma_start3A_38] : memref<128x10240xf32, #tpu.memory_space<hbm>> -> memref<1x10240xf32, #tpu.memory_space<hbm>>
      %dma_start3A_40 = tpu.memref_squeeze %dma_start3A_39 : memref<1x10240xf32, #tpu.memory_space<hbm>> -> memref<10240xf32, #tpu.memory_space<hbm>>
      %dma_start3A_41 = arith.constant 0 : i32
      %dma_start3A_42 = tpu.memref_slice %arg5[%add3A_35, %dma_start3A_41] : memref<128x10240xf32, #tpu.memory_space<hbm>> -> memref<1x10240xf32, #tpu.memory_space<hbm>>
      %dma_start3A_43 = tpu.memref_squeeze %dma_start3A_42 : memref<1x10240xf32, #tpu.memory_space<hbm>> -> memref<10240xf32, #tpu.memory_space<hbm>>
      %dma_start3A_44 = arith.constant 30720 : i32
      %dma_start3A_45 = tpu.memref_slice %arg7[%dma_start3A_44] : memref<40960xf32, #tpu.memory_space<vmem>> -> memref<10240xf32, #tpu.memory_space<vmem>>
      tpu.enqueue_dma source(%dma_start3A_45 : memref<10240xf32, #tpu.memory_space<vmem>>) target(%dma_start3A_43 : memref<10240xf32, #tpu.memory_space<hbm>>) target_semaphore(%run_scoped3A : memref<!tpu.dma_semaphore, #tpu.memory_space<semaphore_mem>>)
      %dma_wait3A = arith.constant 30720 : i32
      %dma_wait3A_46 = tpu.memref_slice %arg7[%dma_wait3A] : memref<40960xf32, #tpu.memory_space<vmem>> -> memref<10240xf32, #tpu.memory_space<vmem>>
      %dma_wait3A_47 = arith.constant 0 : i32
      %dma_wait3A_48 = tpu.memref_slice %arg5[%add3A_35, %dma_wait3A_47] : memref<128x10240xf32, #tpu.memory_space<hbm>> -> memref<1x10240xf32, #tpu.memory_space<hbm>>
      %dma_wait3A_49 = tpu.memref_squeeze %dma_wait3A_48 : memref<1x10240xf32, #tpu.memory_space<hbm>> -> memref<10240xf32, #tpu.memory_space<hbm>>
      %dma_wait3A_50 = arith.constant 0 : i32
      %dma_wait3A_51 = tpu.memref_slice %arg5[%add3A_35, %dma_wait3A_50] : memref<128x10240xf32, #tpu.memory_space<hbm>> -> memref<1x10240xf32, #tpu.memory_space<hbm>>
      %dma_wait3A_52 = tpu.memref_squeeze %dma_wait3A_51 : memref<1x10240xf32, #tpu.memory_space<hbm>> -> memref<10240xf32, #tpu.memory_space<hbm>>
      %dma_wait3A_53 = arith.constant 30720 : i32
      %dma_wait3A_54 = tpu.memref_slice %arg7[%dma_wait3A_53] : memref<40960xf32, #tpu.memory_space<vmem>> -> memref<10240xf32, #tpu.memory_space<vmem>>
      tpu.wait_dma2 semaphore(%run_scoped3A : memref<!tpu.dma_semaphore, #tpu.memory_space<semaphore_mem>>) src(%dma_wait3A_54 : memref<10240xf32, #tpu.memory_space<vmem>>) dst(%dma_wait3A_52 : memref<10240xf32, #tpu.memory_space<hbm>>)
      tpu.yield
    }) : () -> ()
    return
  }
}

#map = affine_map<(d0, d1) -> (0)>
#map1 = affine_map<(d0, d1) -> (0, 0)>
module attributes {stable_mosaic.version = 14 : i64} {
  func.func @_phase_a_body(%arg0: i32, %arg1: i32, %arg2: memref<10240xf32, #tpu.memory_space<hbm>>, %arg3: memref<10240xf32, #tpu.memory_space<hbm>>, %arg4: memref<320000xi32, #tpu.memory_space<hbm>>, %arg5: memref<320000xi32, #tpu.memory_space<hbm>>, %arg6: memref<320000xf32, #tpu.memory_space<hbm>>, %arg7: memref<32x10240xf32, #tpu.memory_space<hbm>>, %arg8: memref<320000xi32, #tpu.memory_space<hbm>>, %arg9: memref<10240xf32, #tpu.memory_space<vmem>>, %arg10: memref<10240xf32, #tpu.memory_space<vmem>>, %arg11: memref<10000xi32, #tpu.memory_space<vmem>>, %arg12: memref<10000xi32, #tpu.memory_space<vmem>>, %arg13: memref<10000xf32, #tpu.memory_space<vmem>>, %arg14: memref<10240xf32, #tpu.memory_space<vmem>>, %arg15: memref<10000xi32, #tpu.memory_space<vmem>>) attributes {dimension_semantics = [#tpu.dimension_semantics<core_parallel>, #tpu.dimension_semantics<subcore_parallel>], iteration_bounds = array<i64: 2, 16>, scalar_prefetch = 0 : i64, scratch_operands = 7 : i64, tpu.core_type = #tpu.core_type<sc_vector_subcore>, window_params = [{transform_indices = #map}, {transform_indices = #map}, {transform_indices = #map}, {transform_indices = #map}, {transform_indices = #map}, {transform_indices = #map1}, {transform_indices = #map}]} {
    %mul3A = arith.constant 16 : i32
    %mul3A_0 = arith.muli %arg0, %mul3A : i32
    %add3A = arith.addi %mul3A_0, %arg1 : i32
    %mul3A_1 = arith.constant 10000 : i32
    %mul3A_2 = arith.muli %add3A, %mul3A_1 : i32
    "tpu.region"() ({
      %run_scoped3A = tpu.sem_alloc : memref<!tpu.dma_semaphore, #tpu.memory_space<semaphore_mem>>
      tpu.enqueue_dma source(%arg2 : memref<10240xf32, #tpu.memory_space<hbm>>) target(%arg9 : memref<10240xf32, #tpu.memory_space<vmem>>) target_semaphore(%run_scoped3A : memref<!tpu.dma_semaphore, #tpu.memory_space<semaphore_mem>>)
      tpu.wait_dma2 semaphore(%run_scoped3A : memref<!tpu.dma_semaphore, #tpu.memory_space<semaphore_mem>>) src(%arg2 : memref<10240xf32, #tpu.memory_space<hbm>>) dst(%arg9 : memref<10240xf32, #tpu.memory_space<vmem>>)
      tpu.yield
    }) : () -> ()
    "tpu.region"() ({
      %run_scoped3A = tpu.sem_alloc : memref<!tpu.dma_semaphore, #tpu.memory_space<semaphore_mem>>
      tpu.enqueue_dma source(%arg3 : memref<10240xf32, #tpu.memory_space<hbm>>) target(%arg10 : memref<10240xf32, #tpu.memory_space<vmem>>) target_semaphore(%run_scoped3A : memref<!tpu.dma_semaphore, #tpu.memory_space<semaphore_mem>>)
      tpu.wait_dma2 semaphore(%run_scoped3A : memref<!tpu.dma_semaphore, #tpu.memory_space<semaphore_mem>>) src(%arg3 : memref<10240xf32, #tpu.memory_space<hbm>>) dst(%arg10 : memref<10240xf32, #tpu.memory_space<vmem>>)
      tpu.yield
    }) : () -> ()
    "tpu.region"() ({
      %run_scoped3A = tpu.sem_alloc : memref<!tpu.dma_semaphore, #tpu.memory_space<semaphore_mem>>
      %dma_start3A = tpu.memref_slice %arg4[%mul3A_2] : memref<320000xi32, #tpu.memory_space<hbm>> -> memref<10000xi32, #tpu.memory_space<hbm>>
      %dma_start3A_10 = tpu.memref_slice %arg4[%mul3A_2] : memref<320000xi32, #tpu.memory_space<hbm>> -> memref<10000xi32, #tpu.memory_space<hbm>>
      tpu.enqueue_dma source(%dma_start3A_10 : memref<10000xi32, #tpu.memory_space<hbm>>) target(%arg11 : memref<10000xi32, #tpu.memory_space<vmem>>) target_semaphore(%run_scoped3A : memref<!tpu.dma_semaphore, #tpu.memory_space<semaphore_mem>>)
      %dma_wait3A = tpu.memref_slice %arg4[%mul3A_2] : memref<320000xi32, #tpu.memory_space<hbm>> -> memref<10000xi32, #tpu.memory_space<hbm>>
      %dma_wait3A_11 = tpu.memref_slice %arg4[%mul3A_2] : memref<320000xi32, #tpu.memory_space<hbm>> -> memref<10000xi32, #tpu.memory_space<hbm>>
      tpu.wait_dma2 semaphore(%run_scoped3A : memref<!tpu.dma_semaphore, #tpu.memory_space<semaphore_mem>>) src(%dma_wait3A_11 : memref<10000xi32, #tpu.memory_space<hbm>>) dst(%arg11 : memref<10000xi32, #tpu.memory_space<vmem>>)
      tpu.yield
    }) : () -> ()
    "tpu.region"() ({
      %run_scoped3A = tpu.sem_alloc : memref<!tpu.dma_semaphore, #tpu.memory_space<semaphore_mem>>
      %dma_start3A = tpu.memref_slice %arg5[%mul3A_2] : memref<320000xi32, #tpu.memory_space<hbm>> -> memref<10000xi32, #tpu.memory_space<hbm>>
      %dma_start3A_10 = tpu.memref_slice %arg5[%mul3A_2] : memref<320000xi32, #tpu.memory_space<hbm>> -> memref<10000xi32, #tpu.memory_space<hbm>>
      tpu.enqueue_dma source(%dma_start3A_10 : memref<10000xi32, #tpu.memory_space<hbm>>) target(%arg12 : memref<10000xi32, #tpu.memory_space<vmem>>) target_semaphore(%run_scoped3A : memref<!tpu.dma_semaphore, #tpu.memory_space<semaphore_mem>>)
      %dma_wait3A = tpu.memref_slice %arg5[%mul3A_2] : memref<320000xi32, #tpu.memory_space<hbm>> -> memref<10000xi32, #tpu.memory_space<hbm>>
      %dma_wait3A_11 = tpu.memref_slice %arg5[%mul3A_2] : memref<320000xi32, #tpu.memory_space<hbm>> -> memref<10000xi32, #tpu.memory_space<hbm>>
      tpu.wait_dma2 semaphore(%run_scoped3A : memref<!tpu.dma_semaphore, #tpu.memory_space<semaphore_mem>>) src(%dma_wait3A_11 : memref<10000xi32, #tpu.memory_space<hbm>>) dst(%arg12 : memref<10000xi32, #tpu.memory_space<vmem>>)
      tpu.yield
    }) : () -> ()
    %broadcast_in_dim3A = arith.constant 0.000000e+00 : f32
    %broadcast_in_dim3A_3 = vector.broadcast %broadcast_in_dim3A : f32 to vector<16xf32>
    %scan3A = arith.constant 0 : i32
    %scan3A_4 = arith.constant 640 : i32
    %scan3A_5 = arith.addi %scan3A, %scan3A_4 : i32
    %scan3A_6 = arith.constant 8 : i32
    scf.for %scan3A_10 = %scan3A to %scan3A_5 step %scan3A_6  : i32 {
      %mul3A_11 = arith.constant 1 : i32
      %mul3A_12 = arith.muli %scan3A_10, %mul3A_11 : i32
      %add3A_13 = arith.constant 0 : i32
      %add3A_14 = arith.addi %add3A_13, %mul3A_12 : i32
      %mul3A_15 = arith.constant 16 : i32
      %mul3A_16 = arith.muli %add3A_14, %mul3A_15 : i32
      %swap3A = arith.index_cast %mul3A_16 : i32 to index
      %swap3A_17 = tpu.vector_load %arg14[%swap3A] {strides = array<i32>} : memref<10240xf32, #tpu.memory_space<vmem>>, vector<16xf32>,
      tpu.vector_store %arg14[%swap3A], %broadcast_in_dim3A_3 {strides = array<i32>} : memref<10240xf32, #tpu.memory_space<vmem>>, vector<16xf32>,
      %scan3A_18 = arith.constant 1 : i32
      %scan3A_19 = arith.addi %scan3A_10, %scan3A_18 : i32
      %mul3A_20 = arith.constant 1 : i32
      %mul3A_21 = arith.muli %scan3A_19, %mul3A_20 : i32
      %add3A_22 = arith.constant 0 : i32
      %add3A_23 = arith.addi %add3A_22, %mul3A_21 : i32
      %mul3A_24 = arith.constant 16 : i32
      %mul3A_25 = arith.muli %add3A_23, %mul3A_24 : i32
      %swap3A_26 = arith.index_cast %mul3A_25 : i32 to index
      %swap3A_27 = tpu.vector_load %arg14[%swap3A_26] {strides = array<i32>} : memref<10240xf32, #tpu.memory_space<vmem>>, vector<16xf32>,
      tpu.vector_store %arg14[%swap3A_26], %broadcast_in_dim3A_3 {strides = array<i32>} : memref<10240xf32, #tpu.memory_space<vmem>>, vector<16xf32>,
      %scan3A_28 = arith.constant 2 : i32
      %scan3A_29 = arith.addi %scan3A_10, %scan3A_28 : i32
      %mul3A_30 = arith.constant 1 : i32
      %mul3A_31 = arith.muli %scan3A_29, %mul3A_30 : i32
      %add3A_32 = arith.constant 0 : i32
      %add3A_33 = arith.addi %add3A_32, %mul3A_31 : i32
      %mul3A_34 = arith.constant 16 : i32
      %mul3A_35 = arith.muli %add3A_33, %mul3A_34 : i32
      %swap3A_36 = arith.index_cast %mul3A_35 : i32 to index
      %swap3A_37 = tpu.vector_load %arg14[%swap3A_36] {strides = array<i32>} : memref<10240xf32, #tpu.memory_space<vmem>>, vector<16xf32>,
      tpu.vector_store %arg14[%swap3A_36], %broadcast_in_dim3A_3 {strides = array<i32>} : memref<10240xf32, #tpu.memory_space<vmem>>, vector<16xf32>,
      %scan3A_38 = arith.constant 3 : i32
      %scan3A_39 = arith.addi %scan3A_10, %scan3A_38 : i32
      %mul3A_40 = arith.constant 1 : i32
      %mul3A_41 = arith.muli %scan3A_39, %mul3A_40 : i32
      %add3A_42 = arith.constant 0 : i32
      %add3A_43 = arith.addi %add3A_42, %mul3A_41 : i32
      %mul3A_44 = arith.constant 16 : i32
      %mul3A_45 = arith.muli %add3A_43, %mul3A_44 : i32
      %swap3A_46 = arith.index_cast %mul3A_45 : i32 to index
      %swap3A_47 = tpu.vector_load %arg14[%swap3A_46] {strides = array<i32>} : memref<10240xf32, #tpu.memory_space<vmem>>, vector<16xf32>,
      tpu.vector_store %arg14[%swap3A_46], %broadcast_in_dim3A_3 {strides = array<i32>} : memref<10240xf32, #tpu.memory_space<vmem>>, vector<16xf32>,
      %scan3A_48 = arith.constant 4 : i32
      %scan3A_49 = arith.addi %scan3A_10, %scan3A_48 : i32
      %mul3A_50 = arith.constant 1 : i32
      %mul3A_51 = arith.muli %scan3A_49, %mul3A_50 : i32
      %add3A_52 = arith.constant 0 : i32
      %add3A_53 = arith.addi %add3A_52, %mul3A_51 : i32
      %mul3A_54 = arith.constant 16 : i32
      %mul3A_55 = arith.muli %add3A_53, %mul3A_54 : i32
      %swap3A_56 = arith.index_cast %mul3A_55 : i32 to index
      %swap3A_57 = tpu.vector_load %arg14[%swap3A_56] {strides = array<i32>} : memref<10240xf32, #tpu.memory_space<vmem>>, vector<16xf32>,
      tpu.vector_store %arg14[%swap3A_56], %broadcast_in_dim3A_3 {strides = array<i32>} : memref<10240xf32, #tpu.memory_space<vmem>>, vector<16xf32>,
      %scan3A_58 = arith.constant 5 : i32
      %scan3A_59 = arith.addi %scan3A_10, %scan3A_58 : i32
      %mul3A_60 = arith.constant 1 : i32
      %mul3A_61 = arith.muli %scan3A_59, %mul3A_60 : i32
      %add3A_62 = arith.constant 0 : i32
      %add3A_63 = arith.addi %add3A_62, %mul3A_61 : i32
      %mul3A_64 = arith.constant 16 : i32
      %mul3A_65 = arith.muli %add3A_63, %mul3A_64 : i32
      %swap3A_66 = arith.index_cast %mul3A_65 : i32 to index
      %swap3A_67 = tpu.vector_load %arg14[%swap3A_66] {strides = array<i32>} : memref<10240xf32, #tpu.memory_space<vmem>>, vector<16xf32>,
      tpu.vector_store %arg14[%swap3A_66], %broadcast_in_dim3A_3 {strides = array<i32>} : memref<10240xf32, #tpu.memory_space<vmem>>, vector<16xf32>,
      %scan3A_68 = arith.constant 6 : i32
      %scan3A_69 = arith.addi %scan3A_10, %scan3A_68 : i32
      %mul3A_70 = arith.constant 1 : i32
      %mul3A_71 = arith.muli %scan3A_69, %mul3A_70 : i32
      %add3A_72 = arith.constant 0 : i32
      %add3A_73 = arith.addi %add3A_72, %mul3A_71 : i32
      %mul3A_74 = arith.constant 16 : i32
      %mul3A_75 = arith.muli %add3A_73, %mul3A_74 : i32
      %swap3A_76 = arith.index_cast %mul3A_75 : i32 to index
      %swap3A_77 = tpu.vector_load %arg14[%swap3A_76] {strides = array<i32>} : memref<10240xf32, #tpu.memory_space<vmem>>, vector<16xf32>,
      tpu.vector_store %arg14[%swap3A_76], %broadcast_in_dim3A_3 {strides = array<i32>} : memref<10240xf32, #tpu.memory_space<vmem>>, vector<16xf32>,
      %scan3A_78 = arith.constant 7 : i32
      %scan3A_79 = arith.addi %scan3A_10, %scan3A_78 : i32
      %mul3A_80 = arith.constant 1 : i32
      %mul3A_81 = arith.muli %scan3A_79, %mul3A_80 : i32
      %add3A_82 = arith.constant 0 : i32
      %add3A_83 = arith.addi %add3A_82, %mul3A_81 : i32
      %mul3A_84 = arith.constant 16 : i32
      %mul3A_85 = arith.muli %add3A_83, %mul3A_84 : i32
      %swap3A_86 = arith.index_cast %mul3A_85 : i32 to index
      %swap3A_87 = tpu.vector_load %arg14[%swap3A_86] {strides = array<i32>} : memref<10240xf32, #tpu.memory_space<vmem>>, vector<16xf32>,
      tpu.vector_store %arg14[%swap3A_86], %broadcast_in_dim3A_3 {strides = array<i32>} : memref<10240xf32, #tpu.memory_space<vmem>>, vector<16xf32>,
    }
    %scan3A_7 = arith.constant 640 : i32
    %parallel_loop3A = arith.constant 0 : i32
    %parallel_loop3A_8 = arith.constant 625 : i32
    %parallel_loop3A_9 = arith.constant 1 : i32
    scf.for %parallel_loop3A_10 = %parallel_loop3A to %parallel_loop3A_8 step %parallel_loop3A_9  : i32 {
      %parallel_loop3A_11 = arith.constant 16 : i32
      %parallel_loop3A_12 = arith.muli %parallel_loop3A_10, %parallel_loop3A_11 : i32
      %parallel_loop3A_13 = arith.index_cast %parallel_loop3A_12 : i32 to index
      %parallel_loop3A_14 = tpu.vector_load %arg11[%parallel_loop3A_13] {strides = array<i32>} : memref<10000xi32, #tpu.memory_space<vmem>>, vector<16xi32>,
      %parallel_loop3A_15 = arith.index_cast %parallel_loop3A_12 : i32 to index
      %parallel_loop3A_16 = tpu.vector_load %arg12[%parallel_loop3A_15] {strides = array<i32>} : memref<10000xi32, #tpu.memory_space<vmem>>, vector<16xi32>,
      %parallel_loop3A_17 = arith.constant 16 : i32
      %parallel_loop3A_18 = vector.broadcast %parallel_loop3A_17 : i32 to vector<16xi32>
      %parallel_loop3A_19 = arith.shli %parallel_loop3A_16, %parallel_loop3A_18 : vector<16xi32>
      %parallel_loop3A_20 = arith.ori %parallel_loop3A_14, %parallel_loop3A_19 : vector<16xi32>
      %parallel_loop3A_21 = arith.index_cast %parallel_loop3A_12 : i32 to index
      %parallel_loop3A_22 = tpu.vector_load %arg15[%parallel_loop3A_21] {strides = array<i32>} : memref<10000xi32, #tpu.memory_space<vmem>>, vector<16xi32>,
      tpu.vector_store %arg15[%parallel_loop3A_21], %parallel_loop3A_20 {strides = array<i32>} : memref<10000xi32, #tpu.memory_space<vmem>>, vector<16xi32>,
      %parallel_loop3A_23 = tpu.vector_load_idx %arg9[%parallel_loop3A_14] : memref<10240xf32, #tpu.memory_space<vmem>>[vector<16xi32>], vector<16xf32>,
      %parallel_loop3A_24 = tpu.vector_load_idx %arg10[%parallel_loop3A_16] : memref<10240xf32, #tpu.memory_space<vmem>>[vector<16xi32>], vector<16xf32>,
      %parallel_loop3A_25 = arith.addf %parallel_loop3A_23, %parallel_loop3A_24 : vector<16xf32>
      %parallel_loop3A_26 = arith.constant 2.000000e-01 : f32
      %parallel_loop3A_27 = vector.broadcast %parallel_loop3A_26 : f32 to vector<16xf32>
      %parallel_loop3A_28 = arith.mulf %parallel_loop3A_25, %parallel_loop3A_27 : vector<16xf32>
      %parallel_loop3A_29 = arith.maximumf %parallel_loop3A_25, %parallel_loop3A_28 : vector<16xf32>
      %parallel_loop3A_30 = math.exp %parallel_loop3A_29 : vector<16xf32>
      %parallel_loop3A_31 = arith.index_cast %parallel_loop3A_12 : i32 to index
      %parallel_loop3A_32 = tpu.vector_load %arg13[%parallel_loop3A_31] {strides = array<i32>} : memref<10000xf32, #tpu.memory_space<vmem>>, vector<16xf32>,
      tpu.vector_store %arg13[%parallel_loop3A_31], %parallel_loop3A_30 {strides = array<i32>} : memref<10000xf32, #tpu.memory_space<vmem>>, vector<16xf32>,
      tpu.vector_store_idx %arg14[%parallel_loop3A_14], %parallel_loop3A_30 {add = true} : memref<10240xf32, #tpu.memory_space<vmem>>[vector<16xi32>], vector<16xf32>,
    } {sc.loop_unroll_factor = 8 : i64, sc.parallel_access}
    "tpu.region"() ({
      %run_scoped3A = tpu.sem_alloc : memref<!tpu.dma_semaphore, #tpu.memory_space<semaphore_mem>>
      %dma_start3A = tpu.memref_slice %arg6[%mul3A_2] : memref<320000xf32, #tpu.memory_space<hbm>> -> memref<10000xf32, #tpu.memory_space<hbm>>
      %dma_start3A_10 = tpu.memref_slice %arg6[%mul3A_2] : memref<320000xf32, #tpu.memory_space<hbm>> -> memref<10000xf32, #tpu.memory_space<hbm>>
      tpu.enqueue_dma source(%arg13 : memref<10000xf32, #tpu.memory_space<vmem>>) target(%dma_start3A_10 : memref<10000xf32, #tpu.memory_space<hbm>>) target_semaphore(%run_scoped3A : memref<!tpu.dma_semaphore, #tpu.memory_space<semaphore_mem>>)
      %dma_wait3A = tpu.memref_slice %arg6[%mul3A_2] : memref<320000xf32, #tpu.memory_space<hbm>> -> memref<10000xf32, #tpu.memory_space<hbm>>
      %dma_wait3A_11 = tpu.memref_slice %arg6[%mul3A_2] : memref<320000xf32, #tpu.memory_space<hbm>> -> memref<10000xf32, #tpu.memory_space<hbm>>
      tpu.wait_dma2 semaphore(%run_scoped3A : memref<!tpu.dma_semaphore, #tpu.memory_space<semaphore_mem>>) src(%arg13 : memref<10000xf32, #tpu.memory_space<vmem>>) dst(%dma_wait3A_11 : memref<10000xf32, #tpu.memory_space<hbm>>)
      tpu.yield
    }) : () -> ()
    "tpu.region"() ({
      %run_scoped3A = tpu.sem_alloc : memref<!tpu.dma_semaphore, #tpu.memory_space<semaphore_mem>>
      %dma_start3A = arith.constant 0 : i32
      %dma_start3A_10 = tpu.memref_slice %arg7[%add3A, %dma_start3A] : memref<32x10240xf32, #tpu.memory_space<hbm>> -> memref<1x10240xf32, #tpu.memory_space<hbm>>
      %dma_start3A_11 = tpu.memref_squeeze %dma_start3A_10 : memref<1x10240xf32, #tpu.memory_space<hbm>> -> memref<10240xf32, #tpu.memory_space<hbm>>
      %dma_start3A_12 = arith.constant 0 : i32
      %dma_start3A_13 = tpu.memref_slice %arg7[%add3A, %dma_start3A_12] : memref<32x10240xf32, #tpu.memory_space<hbm>> -> memref<1x10240xf32, #tpu.memory_space<hbm>>
      %dma_start3A_14 = tpu.memref_squeeze %dma_start3A_13 : memref<1x10240xf32, #tpu.memory_space<hbm>> -> memref<10240xf32, #tpu.memory_space<hbm>>
      tpu.enqueue_dma source(%arg14 : memref<10240xf32, #tpu.memory_space<vmem>>) target(%dma_start3A_14 : memref<10240xf32, #tpu.memory_space<hbm>>) target_semaphore(%run_scoped3A : memref<!tpu.dma_semaphore, #tpu.memory_space<semaphore_mem>>)
      %dma_wait3A = arith.constant 0 : i32
      %dma_wait3A_15 = tpu.memref_slice %arg7[%add3A, %dma_wait3A] : memref<32x10240xf32, #tpu.memory_space<hbm>> -> memref<1x10240xf32, #tpu.memory_space<hbm>>
      %dma_wait3A_16 = tpu.memref_squeeze %dma_wait3A_15 : memref<1x10240xf32, #tpu.memory_space<hbm>> -> memref<10240xf32, #tpu.memory_space<hbm>>
      %dma_wait3A_17 = arith.constant 0 : i32
      %dma_wait3A_18 = tpu.memref_slice %arg7[%add3A, %dma_wait3A_17] : memref<32x10240xf32, #tpu.memory_space<hbm>> -> memref<1x10240xf32, #tpu.memory_space<hbm>>
      %dma_wait3A_19 = tpu.memref_squeeze %dma_wait3A_18 : memref<1x10240xf32, #tpu.memory_space<hbm>> -> memref<10240xf32, #tpu.memory_space<hbm>>
      tpu.wait_dma2 semaphore(%run_scoped3A : memref<!tpu.dma_semaphore, #tpu.memory_space<semaphore_mem>>) src(%arg14 : memref<10240xf32, #tpu.memory_space<vmem>>) dst(%dma_wait3A_19 : memref<10240xf32, #tpu.memory_space<hbm>>)
      tpu.yield
    }) : () -> ()
    "tpu.region"() ({
      %run_scoped3A = tpu.sem_alloc : memref<!tpu.dma_semaphore, #tpu.memory_space<semaphore_mem>>
      %dma_start3A = tpu.memref_slice %arg8[%mul3A_2] : memref<320000xi32, #tpu.memory_space<hbm>> -> memref<10000xi32, #tpu.memory_space<hbm>>
      %dma_start3A_10 = tpu.memref_slice %arg8[%mul3A_2] : memref<320000xi32, #tpu.memory_space<hbm>> -> memref<10000xi32, #tpu.memory_space<hbm>>
      tpu.enqueue_dma source(%arg15 : memref<10000xi32, #tpu.memory_space<vmem>>) target(%dma_start3A_10 : memref<10000xi32, #tpu.memory_space<hbm>>) target_semaphore(%run_scoped3A : memref<!tpu.dma_semaphore, #tpu.memory_space<semaphore_mem>>)
      %dma_wait3A = tpu.memref_slice %arg8[%mul3A_2] : memref<320000xi32, #tpu.memory_space<hbm>> -> memref<10000xi32, #tpu.memory_space<hbm>>
      %dma_wait3A_11 = tpu.memref_slice %arg8[%mul3A_2] : memref<320000xi32, #tpu.memory_space<hbm>> -> memref<10000xi32, #tpu.memory_space<hbm>>
      tpu.wait_dma2 semaphore(%run_scoped3A : memref<!tpu.dma_semaphore, #tpu.memory_space<semaphore_mem>>) src(%arg15 : memref<10000xi32, #tpu.memory_space<vmem>>) dst(%dma_wait3A_11 : memref<10000xi32, #tpu.memory_space<hbm>>)
      tpu.yield
    }) : () -> ()
    return
  }
}

module attributes {stable_mosaic.version = 14 : i64} {
  func.func @_prep_body(%arg0: i32, %arg1: memref<1024x128xf32, #tpu.memory_space<vmem>>, %arg2: memref<128x128xf32, #tpu.memory_space<vmem>>, %arg3: memref<256x1xf32, #tpu.memory_space<vmem>>, %arg4: memref<1024xf32, #tpu.memory_space<vmem>>, %arg5: memref<1024xf32, #tpu.memory_space<vmem>>, %arg6: memref<64x1024xi32, #tpu.memory_space<vmem>>) attributes {dimension_semantics = [#tpu.dimension_semantics<arbitrary>], iteration_bounds = array<i64: 10>, scalar_prefetch = 0 : i64, scratch_operands = 0 : i64, tpu.core_type = #tpu.core_type<tc>, window_params = [{transform_indices = @transform_0, window_bounds = array<i64: 1024, 128>}, {pipeline_mode = #tpu.pipeline_mode<synchronous>, transform_indices = @transform_1, window_bounds = array<i64: 128, 128>}, {pipeline_mode = #tpu.pipeline_mode<synchronous>, transform_indices = @transform_2, window_bounds = array<i64: 256, 1>}, {transform_indices = @transform_3, window_bounds = array<i64: 1024>}, {transform_indices = @transform_4, window_bounds = array<i64: 1024>}, {transform_indices = @transform_5, window_bounds = array<i64: 64, 1024>}]} {
    %get3A = arith.constant 0 : index
    %get3A_0 = arith.constant 0 : index
    %get3A_1 = vector.load %arg1[%get3A, %get3A_0] : memref<1024x128xf32, #tpu.memory_space<vmem>>, vector<1024x128xf32>
    %get3A_2 = arith.constant 0 : index
    %get3A_3 = arith.constant 0 : index
    %get3A_4 = vector.load %arg2[%get3A_2, %get3A_3] : memref<128x128xf32, #tpu.memory_space<vmem>>, vector<128x128xf32>
    %dot_general3A = arith.constant dense<0.000000e+00> : vector<128x1024xf32>
    %dot_general3A_5 = tpu.matmul %get3A_4, %get3A_1, %dot_general3A {dimension_numbers = #tpu.dot_dimension_numbers<[0], [1], [1], [0], [0, 1, 1, 0], [], []>, transpose_lhs_hint = false} : vector<128x128xf32>, vector<1024x128xf32>, vector<128x1024xf32> -> vector<128x1024xf32>
    %get3A_6 = arith.constant 0 : index
    %get3A_7 = arith.constant 0 : index
    %get3A_8 = vector.load %arg3[%get3A_6, %get3A_7] : memref<256x1xf32, #tpu.memory_space<vmem>>, vector<128x1xf32>
    %get3A_9 = arith.constant 128 : index
    %get3A_10 = arith.constant 0 : index
    %get3A_11 = vector.load %arg3[%get3A_9, %get3A_10] : memref<256x1xf32, #tpu.memory_space<vmem>>, vector<128x1xf32>
    %dot_general3A_12 = arith.constant dense<0.000000e+00> : vector<1x1024xf32>
    %dot_general3A_13 = tpu.matmul %get3A_8, %dot_general3A_5, %dot_general3A_12 {dimension_numbers = #tpu.dot_dimension_numbers<[0], [0], [1], [1], [0, 1, 1, 1], [], []>, transpose_lhs_hint = false} : vector<128x1xf32>, vector<128x1024xf32>, vector<1x1024xf32> -> vector<1x1024xf32>
    %dot_general3A_14 = arith.constant dense<0.000000e+00> : vector<1x1024xf32>
    %dot_general3A_15 = tpu.matmul %get3A_11, %dot_general3A_5, %dot_general3A_14 {dimension_numbers = #tpu.dot_dimension_numbers<[0], [0], [1], [1], [0, 1, 1, 1], [], []>, transpose_lhs_hint = false} : vector<128x1xf32>, vector<128x1024xf32>, vector<1x1024xf32> -> vector<1x1024xf32>
    %squeeze3A = vector.shape_cast %dot_general3A_13 : vector<1x1024xf32> to vector<1024xf32>
    %swap3A = arith.constant 0 : index
    %swap3A_16 = vector.load %arg4[%swap3A] : memref<1024xf32, #tpu.memory_space<vmem>>, vector<1024xf32>
    tpu.vector_store %arg4[%swap3A], %squeeze3A {strides = array<i32>} : memref<1024xf32, #tpu.memory_space<vmem>>, vector<1024xf32>,
    %squeeze3A_17 = vector.shape_cast %dot_general3A_15 : vector<1x1024xf32> to vector<1024xf32>
    %swap3A_18 = arith.constant 0 : index
    %swap3A_19 = vector.load %arg5[%swap3A_18] : memref<1024xf32, #tpu.memory_space<vmem>>, vector<1024xf32>
    tpu.vector_store %arg5[%swap3A_18], %squeeze3A_17 {strides = array<i32>} : memref<1024xf32, #tpu.memory_space<vmem>>, vector<1024xf32>,
    %slice3A = vector.extract_strided_slice %dot_general3A_5 {offsets = [0, 0], sizes = [64, 1024], strides = [1, 1]} : vector<128x1024xf32> to vector<64x1024xf32>
    %convert_element_type3A = arith.truncf %slice3A : vector<64x1024xf32> to vector<64x1024xbf16>
    %bitcast_convert_type3A = tpu.bitcast %convert_element_type3A : vector<64x1024xbf16> -> vector<64x1024xi16>
    %convert_element_type3A_20 = arith.extui %bitcast_convert_type3A : vector<64x1024xi16> to vector<64x1024xi32>
    %slice3A_21 = vector.extract_strided_slice %dot_general3A_5 {offsets = [64, 0], sizes = [64, 1024], strides = [1, 1]} : vector<128x1024xf32> to vector<64x1024xf32>
    %convert_element_type3A_22 = arith.truncf %slice3A_21 : vector<64x1024xf32> to vector<64x1024xbf16>
    %bitcast_convert_type3A_23 = tpu.bitcast %convert_element_type3A_22 : vector<64x1024xbf16> -> vector<64x1024xi16>
    %convert_element_type3A_24 = arith.extui %bitcast_convert_type3A_23 : vector<64x1024xi16> to vector<64x1024xi32>
    %shift_left3A = arith.constant 16 : i32
    %shift_left3A_25 = vector.broadcast %shift_left3A : i32 to vector<64x1024xi32>
    %shift_left3A_26 = arith.shli %convert_element_type3A_24, %shift_left3A_25 : vector<64x1024xi32>
    %or3A = arith.ori %convert_element_type3A_20, %shift_left3A_26 : vector<64x1024xi32>
    %bitcast_convert_type3A_27 = tpu.bitcast %or3A : vector<64x1024xi32> -> vector<64x1024xi32>
    %swap3A_28 = arith.constant 0 : index
    %swap3A_29 = arith.constant 0 : index
    %swap3A_30 = vector.load %arg6[%swap3A_28, %swap3A_29] : memref<64x1024xi32, #tpu.memory_space<vmem>>, vector<64x1024xi32>
    tpu.vector_store %arg6[%swap3A_28, %swap3A_29], %bitcast_convert_type3A_27 {strides = array<i32>} : memref<64x1024xi32, #tpu.memory_space<vmem>>, vector<64x1024xi32>,
    return
  }
  func.func @transform_0(%arg0: i32) -> (i32, i32) {
    %c0_i32 = arith.constant 0 : i32
    %c0_i32_0 = arith.constant 0 : i32
    return %arg0, %c0_i32 : i32, i32
  }
  func.func @transform_1(%arg0: i32) -> (i32, i32) {
    %c0_i32 = arith.constant 0 : i32
    %c0_i32_0 = arith.constant 0 : i32
    %c0_i32_1 = arith.constant 0 : i32
    return %c0_i32, %c0_i32_0 : i32, i32
  }
  func.func @transform_2(%arg0: i32) -> (i32, i32) {
    %c0_i32 = arith.constant 0 : i32
    %c0_i32_0 = arith.constant 0 : i32
    %c0_i32_1 = arith.constant 0 : i32
    return %c0_i32, %c0_i32_0 : i32, i32
  }
  func.func @transform_3(%arg0: i32) -> i32 {
    %c0_i32 = arith.constant 0 : i32
    return %arg0 : i32
  }
  func.func @transform_4(%arg0: i32) -> i32 {
    %c0_i32 = arith.constant 0 : i32
    return %arg0 : i32
  }
  func.func @transform_5(%arg0: i32) -> (i32, i32) {
    %c0_i32 = arith.constant 0 : i32
    %c0_i32_0 = arith.constant 0 : i32
    return %c0_i32, %arg0 : i32, i32
  }
}

module attributes {stable_mosaic.version = 14 : i64} {
  func.func @_finish_body(%arg0: i32, %arg1: memref<128x1024xf32, #tpu.memory_space<vmem>>, %arg2: memref<32x1024xf32, #tpu.memory_space<vmem>>, %arg3: memref<1024x128xf32, #tpu.memory_space<vmem>>) attributes {dimension_semantics = [#tpu.dimension_semantics<arbitrary>], iteration_bounds = array<i64: 10>, scalar_prefetch = 0 : i64, scratch_operands = 0 : i64, tpu.core_type = #tpu.core_type<tc>, window_params = [{transform_indices = @transform_0, window_bounds = array<i64: 128, 1024>}, {transform_indices = @transform_1, window_bounds = array<i64: 32, 1024>}, {transform_indices = @transform_2, window_bounds = array<i64: 1024, 128>}]} {
    %get3A = arith.constant 0 : index
    %get3A_0 = arith.constant 0 : index
    %get3A_1 = vector.load %arg2[%get3A, %get3A_0] : memref<32x1024xf32, #tpu.memory_space<vmem>>, vector<32x1024xf32>
    %reduce_sum3A = arith.constant dense<0.000000e+00> : vector<1024xf32>
    %reduce_sum3A_2 = vector.multi_reduction <add>, %get3A_1, %reduce_sum3A [0] : vector<32x1024xf32> to vector<1024xf32>
    %eq3A = arith.constant 0.000000e+00 : f32
    %eq3A_3 = vector.broadcast %eq3A : f32 to vector<1024xf32>
    %eq3A_4 = arith.cmpf oeq, %reduce_sum3A_2, %eq3A_3 : vector<1024xf32>
    %jit3A = arith.constant 1.000000e+00 : f32
    %broadcast_in_dim3A = vector.broadcast %jit3A : f32 to vector<1024xf32>
    %select_n3A = arith.select %eq3A_4, %broadcast_in_dim3A, %reduce_sum3A_2 : vector<1024xi1>, vector<1024xf32>
    %get3A_5 = arith.constant 0 : index
    %get3A_6 = arith.constant 0 : index
    %get3A_7 = vector.load %arg1[%get3A_5, %get3A_6] : memref<128x1024xf32, #tpu.memory_space<vmem>>, vector<128x1024xf32>
    %broadcast_in_dim3A_8 = vector.shape_cast %select_n3A : vector<1024xf32> to vector<1x1024xf32>
    %div3A = vector.broadcast %broadcast_in_dim3A_8 : vector<1x1024xf32> to vector<128x1024xf32>
    %div3A_9 = arith.divf %get3A_7, %div3A : vector<128x1024xf32>
    %transpose3A = tpu.transpose %div3A_9, [1, 0] : vector<128x1024xf32> -> vector<1024x128xf32>
    %gt3A = arith.constant 0.000000e+00 : f32
    %gt3A_10 = vector.broadcast %gt3A : f32 to vector<1024x128xf32>
    %gt3A_11 = arith.cmpf ogt, %transpose3A, %gt3A_10 : vector<1024x128xf32>
    %exp3A = math.exp %transpose3A : vector<1024x128xf32>
    %sub3A = arith.constant 1.000000e+00 : f32
    %sub3A_12 = vector.broadcast %sub3A : f32 to vector<1024x128xf32>
    %sub3A_13 = arith.subf %exp3A, %sub3A_12 : vector<1024x128xf32>
    %select_n3A_14 = arith.select %gt3A_11, %transpose3A, %sub3A_13 : vector<1024x128xi1>, vector<1024x128xf32>
    %swap3A = arith.constant 0 : index
    %swap3A_15 = arith.constant 0 : index
    %swap3A_16 = vector.load %arg3[%swap3A, %swap3A_15] : memref<1024x128xf32, #tpu.memory_space<vmem>>, vector<1024x128xf32>
    tpu.vector_store %arg3[%swap3A, %swap3A_15], %select_n3A_14 {strides = array<i32>} : memref<1024x128xf32, #tpu.memory_space<vmem>>, vector<1024x128xf32>,
    return
  }
  func.func @transform_0(%arg0: i32) -> (i32, i32) {
    %c0_i32 = arith.constant 0 : i32
    %c0_i32_0 = arith.constant 0 : i32
    return %c0_i32, %arg0 : i32, i32
  }
  func.func @transform_1(%arg0: i32) -> (i32, i32) {
    %c0_i32 = arith.constant 0 : i32
    %c0_i32_0 = arith.constant 0 : i32
    return %c0_i32, %arg0 : i32, i32
  }
  func.func @transform_2(%arg0: i32) -> (i32, i32) {
    %c0_i32 = arith.constant 0 : i32
    %c0_i32_0 = arith.constant 0 : i32
    return %arg0, %c0_i32 : i32, i32
  }
}

</mosaic_0001>

<sc_bundles>
// kernel: kernel.6.cloned.1.call-start
scs
__scs_entry_jumppad:
0x0: {  	(pc) =	sbr.rel $0x88, $3  }
0x1: {  	(tag) =	ssettag $0x0;
	lr =	simm.s32 $0x1  }
0x2: {  	[smem:$0x3F9D] =	sst lr;
	_ =	strace $0xD0000000  }
0x3: {  	_ = 	snop  }
0x4: {  	_ = 	snop  }
0x5: {  	_ = 	snop  }
0x6: {  	_ = 	snop  }
0x7: {  	_ = 	snop  }
__scs_overlays_trampoline_lowered:
0x8: {  	[smem:$0x3FAC] =	sst s0  }
0x9: {  	[smem:$0x3FAD] =	sst s1  }
0xa: {  	[smem:$0x3FAE] =	sst s2  }
0xb: {  	[smem:$0x3FAF] =	sst s3  }
0xc: {  	[smem:$0x3FB0] =	sst s4  }
0xd: {  	[smem:$0x3FB1] =	sst s5  }
0xe: {  	[smem:$0x3FB2] =	sst s6  }
0xf: {  	[smem:$0x3FB3] =	sst s7  }
0x10: {  	[smem:$0x3FB4] =	sst s8  }
0x11: {  	[smem:$0x3FB5] =	sst s9;
	s0 =	simm.s32 @!p0 $0x0  }
0x12: {  	s1 =	sld [smem:$0x3F9B];
	s0 =	simm.s32 @p0 $0x1  }
0x13: {  	[smem:$0x3FB6] =	sst s0;
	s0 =	simm.s32 @!p1 $0x0  }
0x14: {  	s2 =	sld [smem:$0x3F9A];
	s0 =	simm.s32 @p1 $0x1  }
0x15: {  	[smem:$0x3FB7] =	sst s0;
	s0 =	simm.s32 @!p2 $0x0  }
0x16: {  	s3 =	sld [smem:$0x3FDB];
	s0 =	simm.s32 @p2 $0x1  }
0x17: {  	s4 =	simm.s32 $0x1BF5;
	[smem:$0x3FB9] =	sst s0  }
0x18: {  	s0 =	sld [smem:$0x3F9C];
	_ =	swait.ge [sflag:s4], $0x0  }
0x19: {  	s7 =	sld [smem:$0x3F9D]  }
0x1a: {  	s8 =	sadd.s32 $0xFFFFE003, lr  }
0x1b: {  	s9 =	sadd.s32 $0xFFFFFEF7, lr;
	s5 =	simm.s32 $0xFFFFFFFF;
	p2 =	slt.u32 s8, $0xFFFFF086  }
0x1c: {  	p1 =	slt.u32 s9, $0xF7A;
	s5 =	simm.s32 @!p2 $0x0  }
0x1d: {  	s5 =	simm.s32 @p1 $0x1;
	p0 =	seq.s32 s7, s2  }
0x1e: {  	s7 =	smul.u32 @!p0 $0xF7A, s2;
	p2 =	seq.s32 @!p0 s5, $0x0  }
0x1f: {  	s9 =	smul.u32 $0xF7A, s1;
	s8 =	simm.s32 @!p0 $0x1BF5;
	p2 =	por !p2, p0  }
0x20: {  	[sflag:s8] =	ssyncset.s32 @!p0 $0xFFFFF086;
	s6 =	sadd.s32 @!p0 s3, s7;
	s7 =	simm.s32 @!p0 $0x108  }
0x21: {  	s3 =	sadd.s32 s3, s9;
	s6 =	sadd.s32 @!p0 $0x88, s6;
	s7 =	simm.s32 @p2 $0x1082  }
0x22: {  	[simem:s7], [sflag:s8] =	dma.local @!p0 [hbm:s6], $0xF7A  }
0x23: {  	s9 =	sor.u32 $0xD0000000, s2;
	s6 =	simm.s32 $0x108;
	_ =	swait.ge @!p0 [sflag:s8], $0x0  }
0x24: {  	s3 =	sadd.s32 $0x88, s3;
	s6 =	simm.s32 @!p1 $0x1082;
	[sflag:s4] =	ssyncset.s32 $0xFFFFF086  }
0x25: {  	[simem:s6], [sflag:s4] =	dma.local [hbm:s3], $0xF7A  }
0x26: {  	[smem:$0x3F9D] =	sst s1;
	(tag) =	ssettag s2;
	_ =	strace s9  }
0x27: {  	s1 =	sld [smem:$0x3FAD]  }
0x28: {  	s2 =	sld [smem:$0x3FAE]  }
0x29: {  	s4 =	sld [smem:$0x3FB0]  }
0x2a: {  	p0 =	seq.s32 s5, $0x0;
	s5 =	sld [smem:$0x3FB1]  }
0x2b: {  	s6 =	sld [smem:$0x3FB2]  }
0x2c: {  	s7 =	sld [smem:$0x3FB3]  }
0x2d: {  	s3 =	simm.s32 $0x108;
	s8 =	sld [smem:$0x3FB4]  }
0x2e: {  	s3 =	simm.s32 @!p0 $0x1082;
	s9 =	sld [smem:$0x3FB5]  }
0x2f: {  	lr =	sadd.s32 s0, s3;
	s0 =	sld [smem:$0x3FAC]  }
0x30: {  	s3 =	sld [smem:$0x3FAF]  }
0x31: {  	[smem:$0x3FB8] =	sst s10  }
0x32: {  	s10 =	sld [smem:$0x3FB6];
	_ =	sdelay $0x3  }
0x33: {  	p0 =	seq.s32 s10, $0x1;
	s10 =	sld [smem:$0x3FB8];
	_ =	sdelay $0x3  }
0x34: {  	[smem:$0x3FB8] =	sst s10  }
0x35: {  	s10 =	sld [smem:$0x3FB7];
	_ =	sdelay $0x3  }
0x36: {  	p1 =	seq.s32 s10, $0x1;
	s10 =	sld [smem:$0x3FB8];
	_ =	sdelay $0x3  }
0x37: {  	[smem:$0x3FB8] =	sst s10  }
0x38: {  	s10 =	sld [smem:$0x3FB9]  }
0x39: {  	_ = 	snop;
	(pc) =	sbr.ind lr, $3  }
0x3a: {  	_ = 	snop  }
0x3b: {  	_ = 	snop  }
0x3c: {  	p2 =	seq.s32 s10, $0x1;
	s10 =	sld [smem:$0x3FB8]  }
0x3d: {  	_ =	shalt  }
0x3e: {  	_ =	shalt  }
0x3f: {  	_ =	shalt  }
0x40: {  	_ =	shalt  }
0x41: {  	_ =	shalt  }
0x42: {  	_ =	shalt  }
0x43: {  	_ =	shalt  }
0x44: {  	_ =	shalt  }
0x45: {  	_ =	shalt  }
0x46: {  	_ =	shalt  }
0x47: {  	_ =	shalt  }
0x48: {  	_ =	shalt  }
0x49: {  	_ =	shalt  }
0x4a: {  	_ =	shalt  }
0x4b: {  	_ =	shalt  }
0x4c: {  	_ =	shalt  }
0x4d: {  	_ =	shalt  }
0x4e: {  	_ =	shalt  }
0x4f: {  	_ =	shalt  }
0x50: {  	_ =	shalt  }
0x51: {  	_ =	shalt  }
0x52: {  	_ =	shalt  }
0x53: {  	_ =	shalt  }
0x54: {  	_ =	shalt  }
0x55: {  	_ =	shalt  }
0x56: {  	_ =	shalt  }
0x57: {  	_ =	shalt  }
0x58: {  	_ =	shalt  }
0x59: {  	_ =	shalt  }
0x5a: {  	_ =	shalt  }
0x5b: {  	_ =	shalt  }
0x5c: {  	_ =	shalt  }
0x5d: {  	_ =	shalt  }
0x5e: {  	_ =	shalt  }
0x5f: {  	_ =	shalt  }
0x60: {  	_ =	shalt  }
0x61: {  	_ =	shalt  }
0x62: {  	_ =	shalt  }
0x63: {  	_ =	shalt  }
0x64: {  	_ =	shalt  }
0x65: {  	_ =	shalt  }
0x66: {  	_ =	shalt  }
0x67: {  	_ =	shalt  }
0x68: {  	_ =	shalt  }
0x69: {  	_ =	shalt  }
0x6a: {  	_ =	shalt  }
0x6b: {  	_ =	shalt  }
0x6c: {  	_ =	shalt  }
0x6d: {  	_ =	shalt  }
0x6e: {  	_ =	shalt  }
0x6f: {  	_ =	shalt  }
0x70: {  	_ =	shalt  }
0x71: {  	_ =	shalt  }
0x72: {  	_ =	shalt  }
0x73: {  	_ =	shalt  }
0x74: {  	_ =	shalt  }
0x75: {  	_ =	shalt  }
0x76: {  	_ =	shalt  }
0x77: {  	_ =	shalt  }
0x78: {  	_ =	shalt  }
0x79: {  	_ =	shalt  }
0x7a: {  	_ =	shalt  }
0x7b: {  	_ =	shalt  }
0x7c: {  	_ =	shalt  }
0x7d: {  	_ =	shalt  }
0x7e: {  	_ =	shalt  }
0x7f: {  	_ =	shalt  }
0x80: {  	_ =	shalt  }
0x81: {  	_ =	shalt  }
0x82: {  	_ =	shalt  }
0x83: {  	_ =	shalt  }
0x84: {  	_ =	shalt  }
0x85: {  	_ =	shalt  }
0x86: {  	_ =	shalt  }
0x87: {  	_ =	shalt  }
.Lfunc_end0:
.L_simem_size_0:
called_computation_lowered:
.L_overlay_start_0:
0x88: {  	s2 =	sld [smem:$0x3FD9]  }
0x89: {  	s3 =	sld [smem:$0x3FFE];
	_ =	sdelay $0x1  }
0x8a: {  	s1 =	srdreg.scid  }
0x8b: {  	s0 =	sand.u32 $0x1, s1  }
0x8c: {  	s16 =	sshll.u32 s0, $0xA;
	s2 =	sadd.s32 s3, s2  }
0x8d: {  	s2 =	sadd.s32 s2, s16  }
0x8e: {  	[smem:$0x3FC4] =	sst s2  }
0x8f: {  	_ = 	snop  }
0x90: {  	(tm) =	ssettm $0x1  }
0x91: {  	s17 =	sld [smem:$0x3FFB];
	_ =	sdelay $0x3  }
0x92: {  	_ =	strace s17  }
0x93: {  	s2 =	sld [smem:$0x3FFC];
	_ =	sdelay $0x3  }
0x94: {  	_ =	strace s2  }
0x95: {  	s2 =	sld [smem:$0x3FFD];
	_ =	sdelay $0x3  }
0x96: {  	_ =	strace s2  }
0x97: {  	_ =	strace $0x8FFFFFFF  }
0x98: {  	s18 =	sld [smem:$0x3FDB];
	_ =	sdelay $0x1  }
0x99: {  	s19 =	simm.s32 $_scs_section_size  }
0x9a: {  	s4 =	simm.s32 $_size__tile_overlayer_lowered;
	s5 =	simm.s32 $_tile_overlayer_lowered  }
0x9b: {  	s22 =	simm.s32 $0x1BFF;
	s21 =	sshll.u32 s5, $0x1;
	s2 =	sadd.s32 s19, s18  }
0x9c: {  	s6 =	simm.s32 $0x0;
	s20 =	sshll.u32 s4, $0x1;
	s4 =	sadd.s32 s21, s2  }
0x9d: {  	[timem:s6], [sflag:s22] =	dma.local [hbm:s4], s20  }
0x9e: {  	_ =	swait.ge [sflag:s22], s20  }
0x9f: {  	s3 =	ssub.s32 $0x0, s20;
	[sflag:s22] =	ssyncset.done $0x0  }
0xa0: {  	[sflag:s22] =	ssyncadd.s32 s3;
	_ =	sdelay $0x1  }
0xa1: {  	s23 =	simm.s32 $0x1B8B  }
0xa2: {  	_ =	swait.ge [sflag:s23], $0x1  }
0xa3: {  	[sflag:s23] =	ssyncset.done $0x0  }
0xa4: {  	s25 =	simm.s32 $0x1B8E;
	s24 =	sld [smem:$0x3FFE];
	[sflag:s23] =	ssyncadd.s32 $0xFFFFFFFF  }
0xa5: {  	s26 =	simm.s32 $execute0_lowered;
	[smem:$0x3FD2] =	sst s25  }
0xa6: {  	s4 =	sshll.u32 s26, $0x1;
	_ =	strace $0x80000046;
	[dreg:$0x1] =	wrdreg $0xFFFFFFFF  }
0xa7: {  	s28 =	simm.s32 $_size_execute0_lowered;
	s2 =	sadd.s32 s2, s4;
	[dreg:$0x0] =	wrdreg $0x0  }
0xa8: {  	s4 =	sshll.u32 s28, $0x1;
	[dreg:$0x2] =	wrdreg s2  }
0xa9: {  	[dreg:$0x3] =	wrdreg s4  }
0xaa: {  	[dreg:$0x4] =	wrdreg $0xC0  }
0xab: {  	_ =	task [dreg:s6], $0x5FFFF  }
0xac: {  	[dreg:$0x1] =	wrdreg $0xFFFFFFFF  }
0xad: {  	[dreg:$0x0] =	wrdreg $0x60  }
0xae: {  	[dreg:$0x2] =	wrdreg s24  }
0xaf: {  	[dreg:$0x3] =	wrdreg $0x9  }
0xb0: {  	_ =	task.clear_ibuf [dreg:s6], $0x4FFFF;
	_ =	strace $0x90000046  }
0xb1: {  	s29 =	simm.s32 $0x9;
	_ =	strace $0x80000048  }
0xb2: {  	_ =	swait.ge [sflag:s29], $0x1  }
0xb3: {  	[sflag:s29] =	ssyncadd.s32 $0xFFFFFFFF  }
0xb4: {  	_ =	strace $0x90000048  }
0xb5: {  	_ =	sfence  }
0xb6: {  	s30 =	sld [smem:$0x0];
	_ =	sdelay $0x2  }
0xb7: {  	s31 =	sshll.u32 s1, $0xD;
	s1 =	sshrl.u32 s1, $0x2  }
0xb8: {  	s3 =	sand.u32 $0x4000, s31;
	s1 =	sadd.s32 s1, s30  }
0xb9: {  	s0 =	sor.u32 s3, s0;
	s1 =	sshll.u32 s1, $0x11  }
0xba: {  	s0 =	sor.u32 s1, s0  }
0xbb: {  	s0 =	sadd.s32 $0x8F2B, s0  }
0xbc: {  	[sflag:s0] =	ssyncadd.remote.s32 $0x1  }
0xbd: {  	_ =	sfence.sel $0xFFFF  }
0xbe: {  	[dreg:$0x0] =	wrdreg $0xFFFFFFFF;
	(pc) =	sbr.abs _section_cstart, $3  }
0xbf: {  	[dreg:$0x1] =	wrdreg $0xFFFFFFFF  }
0xc0: {  	_ =	task.clear_ibuf [dreg:s6], $0x2FFFF;
	_ =	strace $0x9FFFFFFF  }
0xc1: {  	(tm) =	ssettm $0x7FFFFFFF  }
tec
execute0_lowered:
.L_overlay_start_1:
0x0: {  	(tag) =	ssettag $0x1  }
0x1: {  	s0 =	srdreg.scid  }
0x2: {  	s6 =	rddreg [dreg:$0x0];
	s1 =	stileid.u32;
	s2 =	simm.s32 $0x0  }
0x3: {  	s12 =	simm.s32 $0x2800;
	s13 =	simm.s32 $0x5000;
	s14 =	simm.s32 $0x7780  }
0x4: {  	s15 =	simm.s32 $0xC680;
	s16 =	simm.s32 $0x9F00;
	s5 =	sand.u32 $0x1, s0  }
0x5: {  	s17 =	simm.s32 $0x80;
	s18 =	simm.s32 $0x400;
	s3 =	sshll.u32 s5, $0x4  }
0x6: {  	s19 =	simm.s32 $0xEE80;
	s0 =	rddreg [dreg:$0x1];
	s4 =	sor.u32 s1, s3  }
0x7: {  	s20 =	simm.s32 $0x0;
	[smem:$0x7FF] =	sst s2;
	s3 =	sshrl.u32 s4, $0x3  }
0x8: {  	s8 =	sshll.u32 s1, $0x7;
	_ =	strace $0x80000047;
	s7 =	smul.u32 $0x14000, s3  }
0x9: {  	s8 =	sand.u32 $0x380, s8;
	s5 =	ssub.s32 $0x2, s5;
	s9 =	smul.u32 $0x4E2, s4  }
0xa: {  	s31 =	sshrl.u32 s5, $0x1;
	s4 =	sadd.s32 $0x15600, s6;
	s7 =	sor.u32 s8, s7  }
0xb: {  	s11 =	ssub.s32 s5, s31;
	s9 =	sadd.s32 s9, s6;
	s7 =	sshrl.u32 s7, $0x3  }
0xc: {  	s3 =	sadd.s32 $0x15000, s6;
	s5 =	sadd.s32 $0xB200, s9;
	s10 =	sadd.s32 s7, s6  }
0xd: {  	s6 =	sadd.s32 $0x1400, s9;
	s7 =	sadd.s32 $0x15C00, s9;
	s9 =	sadd.s32 $0x1FA00, s9  }
0xe: {  	v0 =	vimm.f32 $0.0e+00;
	s8 =	sadd.s32 $0x29800, s10;
	s10 =	smax.u32 s11, $0x1;
	s11 =	simm.s32 $0x1  }
.LBB2_1:
0xf: {  	[tilespmem:s2], [sflag:$0x1] =	stream.linear.gather [hbm4b:s3+s2], $0x2800, $0x38;
	[tilespmem:$0x11600] =	vst v63  }
0x10: {  	_ =	swait.ge [sflag:s11], $0x2800  }
0x11: {  	[sflag:s11] =	ssyncset.done $0x0  }
0x12: {  	[sflag:s11] =	ssyncadd.s32 $0xFFFFD800  }
0x13: {  	[tilespmem:s12], [sflag:$0x1] =	stream.linear.gather [hbm4b:s4+s2], $0x2800, $0x38;
	[tilespmem:$0x11600] =	vst v63  }
0x14: {  	_ =	swait.ge [sflag:s11], $0x2800  }
0x15: {  	[sflag:s11] =	ssyncset.done $0x0  }
0x16: {  	[sflag:s11] =	ssyncadd.s32 $0xFFFFD800  }
0x17: {  	[tilespmem:s13], [sflag:$0x1] =	stream.linear.gather [hbm4b:s5+s2], $0x2710, $0x38;
	[tilespmem:$0x11600] =	vst v63  }
0x18: {  	_ =	swait.ge [sflag:s11], $0x2710  }
0x19: {  	[sflag:s11] =	ssyncset.done $0x0  }
0x1a: {  	[sflag:s11] =	ssyncadd.s32 $0xFFFFD8F0  }
0x1b: {  	[tilespmem:s14], [sflag:$0x1] =	stream.linear.gather [hbm4b:s6+s2], $0x2710, $0x38;
	[tilespmem:$0x11600] =	vst v63  }
0x1c: {  	_ =	swait.ge [sflag:s11], $0x2710  }
0x1d: {  	[sflag:s11] =	ssyncset.done $0x0  }
0x1e: {  	s25 =	simm.s32 $0xC6C0;
	[sflag:s11] =	ssyncadd.s32 $0xFFFFD8F0  }
0x1f: {  	[tilespmem:s25+$0xFFFFFFC0] =	vst v0  }
0x20: {  	[tilespmem:s25+$0x30] =	vst v0  }
0x21: {  	[tilespmem:s25+$0x20] =	vst v0  }
0x22: {  	[tilespmem:s25+$0x10] =	vst v0  }
0x23: {  	[tilespmem:s25+$0x0] =	vst v0  }
0x24: {  	s26 =	simm.s32 $0x0;
	[tilespmem:s25+$0xFFFFFFF0] =	vst v0  }
0x25: {  	s23 =	simm.s32 $0x77C0;
	s21 =	simm.s32 $0xEEC0;
	s22 =	simm.s32 $0x9F40;
	[tilespmem:s25+$0xFFFFFFE0] =	vst v0  }
.LBB2_2:
0x26: {  	s26 =	sadd.s32 $0x8, s26;
	[tilespmem:s25+$0xFFFFFFD0] =	vst v0;
	s25 =	sadd.s32 $0x80, s25;
	s24 =	simm.s32 $0x5040  }
0x27: {  	[tilespmem:s25+$0xFFFFFFC0] =	vst v0;
	p0 =	slt.u32 s26, $0x278  }
0x28: {  	[tilespmem:s25+$0x30] =	vst v0  }
.Ltmp0:
0x29: {  	[tilespmem:s25+$0x20] =	vst v0;
	(pc) =	sbr.rel @p0 .LBB2_2-.Ltmp0, $4  }
0x2a: {  	[tilespmem:s25+$0x10] =	vst v0  }
0x2b: {  	[tilespmem:s25+$0x0] =	vst v0  }
0x2c: {  	[tilespmem:s25+$0xFFFFFFF0] =	vst v0  }
0x2d: {  	[tilespmem:s25+$0xFFFFFFE0] =	vst v0  }
0x2e: {  	[tilespmem:s25+$0xFFFFFFD0] =	vst v0  }
0x2f: {  	v9 =	vld [tilespmem:s23+$0x0]  }
0x30: {  	v10 =	vld [tilespmem:s23+$0xFFFFFFC0]  }
0x31: {  	v4 =	vld [tilespmem:s24+$0xFFFFFFC0]  }
0x32: {  	v11 =	vld [tilespmem:s23+$0x20]  }
0x33: {  	v7 =	vld [tilespmem:s23+$0x30]  }
0x34: {  	v6 =	vld [tilespmem:s24+$0x30]  }
0x35: {  	v3 =	vld [tilespmem:s24+$0xFFFFFFD0]  }
0x36: {  	v2 =	vld [tilespmem:s24+$0xFFFFFFE0]  }
0x37: {  	v1 =	vld [tilespmem:s24+$0xFFFFFFF0]  }
0x38: {  	v8 =	vld [tilespmem:s24+$0x20]  }
0x39: {  	v12 =	vld [tilespmem:s23+$0xFFFFFFF0]  }
0x3a: {  	v15 =	vld [tilespmem:s23+$0x10]  }
0x3b: {  	v16 =	vld [tilespmem:s23+$0xFFFFFFE0];
	v5 =	vshll.u32 v7, $0x10  }
0x3c: {  	v21 =	vld [tilespmem:s23+$0xFFFFFFD0];
	v5 =	vor.u32 v6, v5  }
0x3d: {  	[tilespmem:s21+$0x30] =	vst v5;
	v5 =	vld [tilespmem:s24+$0x10]  }
0x3e: {  	v13 =	vshll.u32 v11, $0x10;
	v14 =	vld.idx.msk [tilespmem:v6+s2+$0x0], $0xffff  }
0x3f: {  	v13 =	vor.u32 v8, v13;
	v17 =	vld.idx.msk [tilespmem:v7+s12+$0x0], $0xffff  }
0x40: {  	[tilespmem:s21+$0x20] =	vst v13;
	v13 =	vshll.u32 v10, $0x10;
	v7 =	vld [tilespmem:s24+$0x0]  }
0x41: {  	v18 =	vld.idx.msk [tilespmem:v8+s2+$0x0], $0xffff;
	v13 =	vor.u32 v4, v13  }
0x42: {  	v19 =	vshll.u32 v12, $0x10;
	v20 =	vld.idx.msk [tilespmem:v11+s12+$0x0], $0xffff;
	[tilespmem:s21+$0xFFFFFFC0] =	vst v13  }
0x43: {  	v13 =	vor.u32 v1, v19;
	v10 =	vld.idx.msk [tilespmem:v10+s12+$0x0], $0xffff  }
0x44: {  	v19 =	vshll.u32 v16, $0x10;
	[tilespmem:s21+$0xFFFFFFF0] =	vst v13;
	v13 =	vld.idx.msk [tilespmem:v4+s2+$0x0], $0xffff  }
0x45: {  	v19 =	vor.u32 v2, v19;
	v23 =	vld.idx.msk [tilespmem:v12+s12+$0x0], $0xffff  }
0x46: {  	v11 =	vshll.u32 v15, $0x10;
	v24 =	vld.idx.msk [tilespmem:v1+s2+$0x0], $0xffff;
	[tilespmem:s21+$0xFFFFFFE0] =	vst v19  }
0x47: {  	v19 =	vshll.u32 v21, $0x10;
	v11 =	vor.u32 v5, v11;
	v17 =	vadd.f32 v17, v14;
	v14 =	vld.idx.msk [tilespmem:v2+s2+$0x0], $0xffff  }
0x48: {  	[tilespmem:s21+$0x10] =	vst v11;
	v18 =	vadd.f32 v20, v18;
	v20 =	vor.u32 v3, v19;
	v19 =	vld.idx.msk [tilespmem:v16+s12+$0x0], $0xffff  }
0x49: {  	v12 =	vshll.u32 v9, $0x10;
	v15 =	vld.idx.msk [tilespmem:v15+s12+$0x0], $0xffff  }
0x4a: {  	v12 =	vor.u32 v7, v12;
	[tilespmem:s21+$0xFFFFFFD0] =	vst v20;
	v11 =	vld.idx.msk [tilespmem:v5+s2+$0x0], $0xffff  }
0x4b: {  	[tilespmem:s21+$0x0] =	vst v12;
	v22 =	vmul.f32 $2.000000030e-01, v17;
	v20 =	vmul.f32 $2.000000030e-01, v18;
	v16 =	vld.idx.msk [tilespmem:v21+s12+$0x0], $0xffff  }
0x4c: {  	v21 =	vld.idx.msk [tilespmem:v9+s12+$0x0], $0xffff  }
0x4d: {  	s25 =	simm.s32 $0x50C0;
	v12 =	vld.idx.msk [tilespmem:v7+s2+$0x0], $0xffff;
	v17 =	vmax.f32 v17, v22;
	v18 =	vmax.f32 v18, v20  }
0x4e: {  	s26 =	simm.s32 $0x7840;
	s23 =	simm.s32 $0x9F40;
	s24 =	simm.s32 $0x0;
	v22 =	vld.idx.msk [tilespmem:v3+s2+$0x0], $0xffff;
	v20 =	vmul.f32 $1.442695020e+00, v17;
	v17 =	vmul.f32 $1.442695020e+00, v18;
	v18 =	vadd.f32 v23, v24  }
.LBB2_4:
0x4f: {  	v9 =	vld [tilespmem:s26+$0x0];
	s24 =	sadd.s32 $0x8, s24;
	s21 =	sadd.s32 $0x80, s21;
	s22 =	sadd.s32 $0x80, s22  }
0x50: {  	v14 =	vadd.f32 v19, v14;
	v23 =	vld [tilespmem:s26+$0xFFFFFFC0];
	p0 =	slt.u32 s24, $0x268  }
0x51: {  	v10 =	vadd.f32 v10, v13;
	v19 =	vld [tilespmem:s25+$0xFFFFFFC0];
	(erf) = vpow2.f32 v20  }
0x52: {  	v11 =	vadd.f32 v15, v11;
	v20 =	vmul.f32 $2.000000030e-01, v14;
	v13 =	vld [tilespmem:s26+$0x20];
	(erf) = vpow2.f32 v17  }
0x53: {  	v24 =	vmul.f32 $2.000000030e-01, v18;
	v17 =	vmul.f32 $2.000000030e-01, v10;
	v12 =	vadd.f32 v21, v12;
	v15 =	vld [tilespmem:s26+$0x30]  }
0x54: {  	v16 =	vadd.f32 v16, v22;
	v14 =	vmax.f32 v14, v20;
	v20 =	vmul.f32 $2.000000030e-01, v11;
	v21 =	vld [tilespmem:s25+$0x30]  }
0x55: {  	v10 =	vmax.f32 v10, v17;
	v17 =	vmax.f32 v18, v24;
	v18 =	vmul.f32 $2.000000030e-01, v12;
	v22 =	vld [tilespmem:s25+$0xFFFFFFD0]  }
0x56: {  	v25 =	vmul.f32 $2.000000030e-01, v16;
	v17 =	vmul.f32 $1.442695020e+00, v17;
	v24 =	vld [tilespmem:s25+$0xFFFFFFE0]  }
0x57: {  	v14 =	vmul.f32 $1.442695020e+00, v14;
	v10 =	vmul.f32 $1.442695020e+00, v10;
	v26 =	vld [tilespmem:s25+$0xFFFFFFF0];
	v27 =	vshll.u32 v13, $0x10  }
0x58: {  	v11 =	vmax.f32 v11, v20;
	v16 =	vmax.f32 v16, v25;
	v28 =	vld [tilespmem:s25+$0x20];
	v29 =	vshll.u32 v15, $0x10  }
0x59: {  	v11 =	vmul.f32 $1.442695020e+00, v11;
	v16 =	vmul.f32 $1.442695020e+00, v16;
	v20 =	vld [tilespmem:s26+$0xFFFFFFF0];
	v25 =	vor.u32 v21, v29  }
0x5a: {  	v12 =	vmax.f32 v12, v18;
	v29 =	vld [tilespmem:s26+$0x10];
	[tilespmem:s21+$0x30] =	vst v25;
	v18 =	vpop (erf)  }
0x5b: {  	v12 =	vmul.f32 $1.442695020e+00, v12;
	v25 =	vld [tilespmem:s26+$0xFFFFFFE0];
	[tilespmem:s23+$0x30] =	vst v18;
	(erf) = vpow2.f32 v10;
	v10 =	vpop (erf)  }
0x5c: {  	v30 =	vshll.u32 v23, $0x10;
	v31 =	vld.idx.msk [tilespmem:v21+s2+$0x0], $0xffff;
	[tilespmem:s23+$0x20] =	vst v10  }
0x5d: {  	v30 =	vor.u32 v19, v30;
	v27 =	vor.u32 v28, v27;
	v15 =	vld.idx.msk [tilespmem:v15+s12+$0x0], $0xffff;
	(erf) = vpow2.f32 v14  }
0x5e: {  	v14 =	vshll.u32 v9, $0x10;
	[tilespmem:v8+s15+$0x0] =	vst.idx.add.f32.msk $0xffff, v10;
	v8 =	vmov v28  }
0x5f: {  	v32 =	vld [tilespmem:s25+$0x0];
	v33 =	vshll.u32 v29, $0x10;
	[tilespmem:s21+$0x20] =	vst v27  }
0x60: {  	[tilespmem:s21+$0xFFFFFFC0] =	vst v30;
	v10 =	vshll.u32 v25, $0x10;
	v27 =	vld [tilespmem:s25+$0x10];
	(erf) = vpow2.f32 v16  }
0x61: {  	v10 =	vor.u32 v24, v10;
	[tilespmem:v6+s15+$0x0] =	vst.idx.add.f32.msk $0xffff, v18;
	(erf) = vpow2.f32 v17;
	v6 =	vmov v21  }
0x62: {  	v16 =	vshll.u32 v20, $0x10;
	v17 =	vld.idx.msk [tilespmem:v28+s2+$0x0], $0xffff  }
0x63: {  	[tilespmem:s21+$0xFFFFFFE0] =	vst v10;
	v10 =	vor.u32 v26, v16;
	v16 =	vld.idx.msk [tilespmem:v13+s12+$0x0], $0xffff  }
0x64: {  	v18 =	vld [tilespmem:s26+$0xFFFFFFD0];
	[tilespmem:s21+$0xFFFFFFF0] =	vst v10;
	v14 =	vor.u32 v32, v14;
	v13 =	vpop (erf);
	(erf) = vpow2.f32 v12  }
0x65: {  	v10 =	vld.idx.msk [tilespmem:v23+s12+$0x0], $0xffff;
	v12 =	vor.u32 v27, v33;
	[tilespmem:s23+$0xFFFFFFC0] =	vst v13;
	(erf) = vpow2.f32 v11  }
0x66: {  	[tilespmem:v4+s15+$0x0] =	vst.idx.add.f32.msk $0xffff, v13;
	v21 =	vpop (erf);
	v4 =	vmov v19  }
0x67: {  	v23 =	vld.idx.msk [tilespmem:v20+s12+$0x0], $0xffff;
	[tilespmem:s21+$0x10] =	vst v12  }
0x68: {  	v15 =	vadd.f32 v15, v31;
	v11 =	vld.idx.msk [tilespmem:v27+s2+$0x0], $0xffff  }
0x69: {  	v16 =	vadd.f32 v16, v17;
	v13 =	vld.idx.msk [tilespmem:v19+s2+$0x0], $0xffff;
	v12 =	vshll.u32 v18, $0x10;
	[tilespmem:s23+$0xFFFFFFE0] =	vst v21;
	v17 =	vpop (erf)  }
0x6a: {  	v19 =	vor.u32 v22, v12;
	v28 =	vld.idx.msk [tilespmem:v26+s2+$0x0], $0xffff;
	[tilespmem:s21+$0x0] =	vst v14;
	v14 =	vmul.f32 $2.000000030e-01, v15;
	v30 =	vpop (erf)  }
0x6b: {  	v20 =	vmul.f32 $2.000000030e-01, v16;
	v12 =	vld.idx.msk [tilespmem:v32+s2+$0x0], $0xffff;
	[tilespmem:s23+$0xFFFFFFD0] =	vst v17  }
0x6c: {  	v15 =	vmax.f32 v15, v14;
	[tilespmem:v3+s15+$0x0] =	vst.idx.add.f32.msk $0xffff, v17;
	v3 =	vmov v22  }
0x6d: {  	v16 =	vmax.f32 v16, v20;
	[tilespmem:s21+$0xFFFFFFD0] =	vst v19;
	v14 =	vld.idx.msk [tilespmem:v24+s2+$0x0], $0xffff;
	v20 =	vmul.f32 $1.442695020e+00, v15;
	v22 =	vpop (erf)  }
0x6e: {  	v17 =	vmul.f32 $1.442695020e+00, v16;
	v19 =	vld.idx.msk [tilespmem:v25+s12+$0x0], $0xffff;
	[tilespmem:s23+$0xFFFFFFF0] =	vst v30;
	v25 =	vpop (erf)  }
0x6f: {  	v15 =	vld.idx.msk [tilespmem:v29+s12+$0x0], $0xffff;
	[tilespmem:s23+$0x0] =	vst v22  }
0x70: {  	[tilespmem:v2+s15+$0x0] =	vst.idx.add.f32.msk $0xffff, v21;
	v2 =	vmov v24  }
0x71: {  	v16 =	vld.idx.msk [tilespmem:v18+s12+$0x0], $0xffff;
	[tilespmem:s23+$0x10] =	vst v25;
	s23 =	smov.u32 s22  }
.Ltmp1:
0x72: {  	[tilespmem:v7+s15+$0x0] =	vst.idx.add.f32.msk $0xffff, v22;
	v7 =	vmov v32;
	(pc) =	sbr.rel @p0 .LBB2_4-.Ltmp1, $4  }
0x73: {  	[tilespmem:v1+s15+$0x0] =	vst.idx.add.f32.msk $0xffff, v30;
	v1 =	vmov v26  }
0x74: {  	[tilespmem:v5+s15+$0x0] =	vst.idx.add.f32.msk $0xffff, v25;
	v5 =	vmov v27  }
0x75: {  	v21 =	vld.idx.msk [tilespmem:v9+s12+$0x0], $0xffff  }
0x76: {  	s25 =	sadd.s32 $0x80, s25;
	s26 =	sadd.s32 $0x80, s26;
	v18 =	vadd.f32 v23, v28;
	v22 =	vld.idx.msk [tilespmem:v3+s2+$0x0], $0xffff  }
0x77: {  	v9 =	vadd.f32 v10, v13;
	_ =	sdelay $0x1  }
0x78: {  	v48 =	vadd.f32 v19, v14;
	(erf) = vpow2.f32 v20;
	v13 =	vmul.f32 $2.000000030e-01, v9  }
0x79: {  	(erf) = vpow2.f32 v17  }
0x7a: {  	v50 =	vmul.f32 $2.000000030e-01, v48;
	v49 =	vadd.f32 v16, v22;
	v9 =	vmax.f32 v9, v13  }
0x7b: {  	v9 =	vmul.f32 $1.442695020e+00, v9  }
0x7c: {  	v12 =	vadd.f32 v21, v12;
	v10 =	vmax.f32 v48, v50;
	v51 =	vmul.f32 $2.000000030e-01, v49  }
0x7d: {  	v11 =	vadd.f32 v15, v11;
	v10 =	vmul.f32 $1.442695020e+00, v10;
	(erf) = vpow2.f32 v9  }
0x7e: {  	v52 =	vmul.f32 $2.000000030e-01, v18;
	v53 =	vmul.f32 $2.000000030e-01, v12;
	v13 =	vmax.f32 v49, v51  }
0x7f: {  	(erf) = vpow2.f32 v10;
	v13 =	vmul.f32 $1.442695020e+00, v13  }
0x80: {  	v54 =	vmul.f32 $2.000000030e-01, v11;
	v15 =	vmax.f32 v18, v52  }
0x81: {  	v55 =	vmul.f32 $1.442695020e+00, v15;
	v9 =	vmax.f32 v12, v53;
	(erf) = vpow2.f32 v13  }
0x82: {  	v9 =	vmul.f32 $1.442695020e+00, v9;
	v56 =	vpop (erf)  }
0x83: {  	v11 =	vmax.f32 v11, v54;
	[tilespmem:s23+$0x30] =	vst v56;
	v58 =	vpop (erf);
	(erf) = vpow2.f32 v55  }
0x84: {  	v57 =	vmul.f32 $1.442695020e+00, v11;
	[tilespmem:s23+$0x20] =	vst v58;
	(erf) = vpow2.f32 v9  }
0x85: {  	[tilespmem:v6+s15+$0x0] =	vst.idx.add.f32.msk $0xffff, v56  }
0x86: {  	[tilespmem:v8+s15+$0x0] =	vst.idx.add.f32.msk $0xffff, v58;
	(erf) = vpow2.f32 v57;
	v59 =	vpop (erf)  }
0x87: {  	[tilespmem:s23+$0xFFFFFFC0] =	vst v59  }
0x88: {  	v60 =	vpop (erf);
	[tilespmem:v4+s15+$0x0] =	vst.idx.add.f32.msk $0xffff, v59  }
0x89: {  	[tilespmem:s23+$0xFFFFFFE0] =	vst v60  }
0x8a: {  	[tilespmem:v2+s15+$0x0] =	vst.idx.add.f32.msk $0xffff, v60;
	v61 =	vpop (erf)  }
0x8b: {  	[tilespmem:s23+$0xFFFFFFD0] =	vst v61  }
0x8c: {  	v62 =	vpop (erf);
	[tilespmem:v3+s15+$0x0] =	vst.idx.add.f32.msk $0xffff, v61  }
0x8d: {  	v3 =	vpop (erf);
	[tilespmem:s23+$0xFFFFFFF0] =	vst v62  }
0x8e: {  	[tilespmem:s23+$0x0] =	vst v3  }
0x8f: {  	v63 =	vpop (erf);
	[tilespmem:v1+s15+$0x0] =	vst.idx.add.f32.msk $0xffff, v62  }
0x90: {  	[tilespmem:s23+$0x10] =	vst v63  }
0x91: {  	[tilespmem:v7+s15+$0x0] =	vst.idx.add.f32.msk $0xffff, v3  }
0x92: {  	[tilespmem:v5+s15+$0x0] =	vst.idx.add.f32.msk $0xffff, v63  }
0x93: {  	v1 =	vld [tilespmem:$0x7700]  }
0x94: {  	v2 =	vld [tilespmem:$0x9E80];
	_ =	sdelay $0x4  }
0x95: {  	v3 =	vshll.u32 v2, $0x10  }
0x96: {  	v3 =	vor.u32 v1, v3  }
0x97: {  	[tilespmem:$0x11580] =	vst v3  }
0x98: {  	v3 =	vld.idx.msk [tilespmem:v1+s2+$0x0], $0xffff  }
0x99: {  	v2 =	vld.idx.msk [tilespmem:v2+s12+$0x0], $0xffff;
	_ =	sdelay $0x4  }
0x9a: {  	v2 =	vadd.f32 v2, v3;
	_ =	sdelay $0x1  }
0x9b: {  	v3 =	vmul.f32 $2.000000030e-01, v2;
	_ =	sdelay $0x1  }
0x9c: {  	v2 =	vmax.f32 v2, v3  }
0x9d: {  	v2 =	vmul.f32 $1.442695020e+00, v2;
	_ =	sdelay $0x1  }
0x9e: {  	(erf) = vpow2.f32 v2;
	_ =	sdelay $0x8  }
0x9f: {  	v2 =	vpop (erf)  }
0xa0: {  	[tilespmem:$0xC600] =	vst v2  }
0xa1: {  	[tilespmem:v1+s15+$0x0] =	vst.idx.add.f32.msk $0xffff, v2  }
0xa2: {  	[hbm4b:s7+s2] =	stream.linear.scatter [tilespmem:s16], [sflag:$0x1], $0x2710, $0x38;
	[tilespmem:$0x11600] =	vst v63  }
0xa3: {  	_ =	swait.ge [sflag:s11], $0x2710  }
0xa4: {  	[sflag:s11] =	ssyncset.done $0x0  }
0xa5: {  	[sflag:s11] =	ssyncadd.s32 $0xFFFFD8F0  }
0xa6: {  	[hbm4b:s8+s17] =	stream.strided.scatter [tilespmem:s15], [sflag:$0x1], $0x2800, s18, s17, $0x38;
	[tilespmem:$0x11600] =	vst v63  }
0xa7: {  	s20 =	sadd.s32 $0x1, s20;
	_ =	swait.ge [sflag:s11], $0x2800  }
0xa8: {  	p0 =	sne.s32 s20, s10;
	[sflag:s11] =	ssyncset.done $0x0  }
.Ltmp2:
0xa9: {  	[sflag:s11] =	ssyncadd.s32 $0xFFFFD800;
	(pc) =	sbr.rel @p0 .LBB2_1-.Ltmp2, $4  }
0xaa: {  	[hbm4b:s9+s2] =	stream.linear.scatter [tilespmem:s19], [sflag:$0x1], $0x2710, $0x38;
	[tilespmem:$0x11600] =	vst v63  }
0xab: {  	_ =	swait.ge [sflag:s11], $0x2710  }
0xac: {  	[sflag:s11] =	ssyncset.done $0x0  }
0xad: {  	[sflag:s11] =	ssyncadd.s32 $0xFFFFD8F0  }
0xae: {  	_ =	sfence.sel $0x180000  }
0xaf: {  	[bflag:$0x0] =	sbarrier.arrive $0xFFFF  }
0xb0: {  	p0 =	sne.s32 s1, $0x0;
	_ =	strace $0x90000047  }
0xb1: {  	s0 =	sadd.s32 @!p0 $0x100000, s0;
	[bflag:$0x2] =	sbarrier.arrive $0xFFFF  }
0xb2: {  	[sflag:s0] =	ssyncadd.tile.s32 @!p0 $0x1;
	_ =	shalt  }
.Lfunc_end2:
_tile_overlayer_lowered:
.L_overlay_start_2:
0xb3: {  	(tag) =	ssettag $0x2  }
0xb4: {  	s0 =	rddreg [dreg:$0x0];
	s2 =	stileid.u32  }
0xb5: {  	s1 =	rddreg [dreg:$0x1];
	p0 =	sne.s32 s2, $0x0  }
0xb6: {  	s3 =	rddreg [dreg:$0x2];
	[bflag:$0x3] =	sbarrier.arrive $0xFFFF;
	s2 =	simm.s32 @!p0 $0x1C01  }
0xb7: {  	[timem:s3], [sflag:s2] =	dma.local @!p0 [hbm:s0], s1  }
0xb8: {  	s0 =	simm.s32 @!p0 $0x1  }
0xb9: {  	_ =	swait.ge @!p0 [sflag:s0], s1  }
0xba: {  	s1 =	ssub.s32 @!p0 $0x0, s1;
	[sflag:s0] =	ssyncset.done @!p0 $0x0  }
0xbb: {  	[sflag:s0] =	ssyncadd.s32 @!p0 s1  }
0xbc: {  	[bflag:$0x3] =	sbarrier.arrive $0xFFFF  }
0xbd: {  	_ =	shalt  }

// kernel: kernel.9.cloned.1.call-start
scs
__scs_entry_jumppad:
0x0: {  	(pc) =	sbr.rel $0x88, $3  }
0x1: {  	(tag) =	ssettag $0x0;
	lr =	simm.s32 $0x1  }
0x2: {  	[smem:$0x3F9D] =	sst lr;
	_ =	strace $0xD0000000  }
0x3: {  	_ = 	snop  }
0x4: {  	_ = 	snop  }
0x5: {  	_ = 	snop  }
0x6: {  	_ = 	snop  }
0x7: {  	_ = 	snop  }
__scs_overlays_trampoline_lowered:
0x8: {  	[smem:$0x3FAC] =	sst s0  }
0x9: {  	[smem:$0x3FAD] =	sst s1  }
0xa: {  	[smem:$0x3FAE] =	sst s2  }
0xb: {  	[smem:$0x3FAF] =	sst s3  }
0xc: {  	[smem:$0x3FB0] =	sst s4  }
0xd: {  	[smem:$0x3FB1] =	sst s5  }
0xe: {  	[smem:$0x3FB2] =	sst s6  }
0xf: {  	[smem:$0x3FB3] =	sst s7  }
0x10: {  	[smem:$0x3FB4] =	sst s8  }
0x11: {  	[smem:$0x3FB5] =	sst s9;
	s0 =	simm.s32 @!p0 $0x0  }
0x12: {  	s1 =	sld [smem:$0x3F9B];
	s0 =	simm.s32 @p0 $0x1  }
0x13: {  	[smem:$0x3FB6] =	sst s0;
	s0 =	simm.s32 @!p1 $0x0  }
0x14: {  	s2 =	sld [smem:$0x3F9A];
	s0 =	simm.s32 @p1 $0x1  }
0x15: {  	[smem:$0x3FB7] =	sst s0;
	s0 =	simm.s32 @!p2 $0x0  }
0x16: {  	s3 =	sld [smem:$0x3FDB];
	s0 =	simm.s32 @p2 $0x1  }
0x17: {  	s4 =	simm.s32 $0x1BF5;
	[smem:$0x3FB9] =	sst s0  }
0x18: {  	s0 =	sld [smem:$0x3F9C];
	_ =	swait.ge [sflag:s4], $0x0  }
0x19: {  	s7 =	sld [smem:$0x3F9D]  }
0x1a: {  	s8 =	sadd.s32 $0xFFFFE003, lr  }
0x1b: {  	s9 =	sadd.s32 $0xFFFFFEF7, lr;
	s5 =	simm.s32 $0xFFFFFFFF;
	p2 =	slt.u32 s8, $0xFFFFF086  }
0x1c: {  	p1 =	slt.u32 s9, $0xF7A;
	s5 =	simm.s32 @!p2 $0x0  }
0x1d: {  	s5 =	simm.s32 @p1 $0x1;
	p0 =	seq.s32 s7, s2  }
0x1e: {  	s7 =	smul.u32 @!p0 $0xF7A, s2;
	p2 =	seq.s32 @!p0 s5, $0x0  }
0x1f: {  	s9 =	smul.u32 $0xF7A, s1;
	s8 =	simm.s32 @!p0 $0x1BF5;
	p2 =	por !p2, p0  }
0x20: {  	[sflag:s8] =	ssyncset.s32 @!p0 $0xFFFFF086;
	s6 =	sadd.s32 @!p0 s3, s7;
	s7 =	simm.s32 @!p0 $0x108  }
0x21: {  	s3 =	sadd.s32 s3, s9;
	s6 =	sadd.s32 @!p0 $0x88, s6;
	s7 =	simm.s32 @p2 $0x1082  }
0x22: {  	[simem:s7], [sflag:s8] =	dma.local @!p0 [hbm:s6], $0xF7A  }
0x23: {  	s9 =	sor.u32 $0xD0000000, s2;
	s6 =	simm.s32 $0x108;
	_ =	swait.ge @!p0 [sflag:s8], $0x0  }
0x24: {  	s3 =	sadd.s32 $0x88, s3;
	s6 =	simm.s32 @!p1 $0x1082;
	[sflag:s4] =	ssyncset.s32 $0xFFFFF086  }
0x25: {  	[simem:s6], [sflag:s4] =	dma.local [hbm:s3], $0xF7A  }
0x26: {  	[smem:$0x3F9D] =	sst s1;
	(tag) =	ssettag s2;
	_ =	strace s9  }
0x27: {  	s1 =	sld [smem:$0x3FAD]  }
0x28: {  	s2 =	sld [smem:$0x3FAE]  }
0x29: {  	s4 =	sld [smem:$0x3FB0]  }
0x2a: {  	p0 =	seq.s32 s5, $0x0;
	s5 =	sld [smem:$0x3FB1]  }
0x2b: {  	s6 =	sld [smem:$0x3FB2]  }
0x2c: {  	s7 =	sld [smem:$0x3FB3]  }
0x2d: {  	s3 =	simm.s32 $0x108;
	s8 =	sld [smem:$0x3FB4]  }
0x2e: {  	s3 =	simm.s32 @!p0 $0x1082;
	s9 =	sld [smem:$0x3FB5]  }
0x2f: {  	lr =	sadd.s32 s0, s3;
	s0 =	sld [smem:$0x3FAC]  }
0x30: {  	s3 =	sld [smem:$0x3FAF]  }
0x31: {  	[smem:$0x3FB8] =	sst s10  }
0x32: {  	s10 =	sld [smem:$0x3FB6];
	_ =	sdelay $0x3  }
0x33: {  	p0 =	seq.s32 s10, $0x1;
	s10 =	sld [smem:$0x3FB8];
	_ =	sdelay $0x3  }
0x34: {  	[smem:$0x3FB8] =	sst s10  }
0x35: {  	s10 =	sld [smem:$0x3FB7];
	_ =	sdelay $0x3  }
0x36: {  	p1 =	seq.s32 s10, $0x1;
	s10 =	sld [smem:$0x3FB8];
	_ =	sdelay $0x3  }
0x37: {  	[smem:$0x3FB8] =	sst s10  }
0x38: {  	s10 =	sld [smem:$0x3FB9]  }
0x39: {  	_ = 	snop;
	(pc) =	sbr.ind lr, $3  }
0x3a: {  	_ = 	snop  }
0x3b: {  	_ = 	snop  }
0x3c: {  	p2 =	seq.s32 s10, $0x1;
	s10 =	sld [smem:$0x3FB8]  }
0x3d: {  	_ =	shalt  }
0x3e: {  	_ =	shalt  }
0x3f: {  	_ =	shalt  }
0x40: {  	_ =	shalt  }
0x41: {  	_ =	shalt  }
0x42: {  	_ =	shalt  }
0x43: {  	_ =	shalt  }
0x44: {  	_ =	shalt  }
0x45: {  	_ =	shalt  }
0x46: {  	_ =	shalt  }
0x47: {  	_ =	shalt  }
0x48: {  	_ =	shalt  }
0x49: {  	_ =	shalt  }
0x4a: {  	_ =	shalt  }
0x4b: {  	_ =	shalt  }
0x4c: {  	_ =	shalt  }
0x4d: {  	_ =	shalt  }
0x4e: {  	_ =	shalt  }
0x4f: {  	_ =	shalt  }
0x50: {  	_ =	shalt  }
0x51: {  	_ =	shalt  }
0x52: {  	_ =	shalt  }
0x53: {  	_ =	shalt  }
0x54: {  	_ =	shalt  }
0x55: {  	_ =	shalt  }
0x56: {  	_ =	shalt  }
0x57: {  	_ =	shalt  }
0x58: {  	_ =	shalt  }
0x59: {  	_ =	shalt  }
0x5a: {  	_ =	shalt  }
0x5b: {  	_ =	shalt  }
0x5c: {  	_ =	shalt  }
0x5d: {  	_ =	shalt  }
0x5e: {  	_ =	shalt  }
0x5f: {  	_ =	shalt  }
0x60: {  	_ =	shalt  }
0x61: {  	_ =	shalt  }
0x62: {  	_ =	shalt  }
0x63: {  	_ =	shalt  }
0x64: {  	_ =	shalt  }
0x65: {  	_ =	shalt  }
0x66: {  	_ =	shalt  }
0x67: {  	_ =	shalt  }
0x68: {  	_ =	shalt  }
0x69: {  	_ =	shalt  }
0x6a: {  	_ =	shalt  }
0x6b: {  	_ =	shalt  }
0x6c: {  	_ =	shalt  }
0x6d: {  	_ =	shalt  }
0x6e: {  	_ =	shalt  }
0x6f: {  	_ =	shalt  }
0x70: {  	_ =	shalt  }
0x71: {  	_ =	shalt  }
0x72: {  	_ =	shalt  }
0x73: {  	_ =	shalt  }
0x74: {  	_ =	shalt  }
0x75: {  	_ =	shalt  }
0x76: {  	_ =	shalt  }
0x77: {  	_ =	shalt  }
0x78: {  	_ =	shalt  }
0x79: {  	_ =	shalt  }
0x7a: {  	_ =	shalt  }
0x7b: {  	_ =	shalt  }
0x7c: {  	_ =	shalt  }
0x7d: {  	_ =	shalt  }
0x7e: {  	_ =	shalt  }
0x7f: {  	_ =	shalt  }
0x80: {  	_ =	shalt  }
0x81: {  	_ =	shalt  }
0x82: {  	_ =	shalt  }
0x83: {  	_ =	shalt  }
0x84: {  	_ =	shalt  }
0x85: {  	_ =	shalt  }
0x86: {  	_ =	shalt  }
0x87: {  	_ =	shalt  }
.Lfunc_end0:
.L_simem_size_0:
called_computation.1_lowered:
.L_overlay_start_0:
0x88: {  	s2 =	sld [smem:$0x3FD9]  }
0x89: {  	s3 =	sld [smem:$0x3FFE];
	_ =	sdelay $0x1  }
0x8a: {  	s1 =	srdreg.scid  }
0x8b: {  	s0 =	sand.u32 $0x1, s1  }
0x8c: {  	s17 =	sshll.u32 s0, $0xA;
	s2 =	sadd.s32 s3, s2  }
0x8d: {  	s2 =	sadd.s32 s2, s17  }
0x8e: {  	[smem:$0x3FC4] =	sst s2  }
0x8f: {  	_ = 	snop  }
0x90: {  	s2 =	sld [smem:$0x3FD0];
	(tm) =	ssettm $0x1  }
0x91: {  	s18 =	sld [smem:$0x3FFB];
	_ =	sdelay $0x3  }
0x92: {  	_ =	strace s18  }
0x93: {  	s3 =	sld [smem:$0x3FFC];
	_ =	sdelay $0x3  }
0x94: {  	_ =	strace s3  }
0x95: {  	s3 =	sld [smem:$0x3FFD];
	_ =	sdelay $0x3  }
0x96: {  	_ =	strace s3  }
0x97: {  	_ =	strace $0x8FFFFFFF  }
0x98: {  	s19 =	sld [smem:$0x3FDB];
	_ =	sdelay $0x1  }
0x99: {  	s4 =	simm.s32 $_scs_section_size  }
0x9a: {  	s5 =	simm.s32 $_size__tile_overlayer_lowered;
	s6 =	simm.s32 $_tile_overlayer_lowered  }
0x9b: {  	s22 =	simm.s32 $0x1BFF;
	s21 =	sshll.u32 s6, $0x1;
	s3 =	sadd.s32 s4, s19  }
0x9c: {  	s7 =	simm.s32 $0x0;
	s20 =	sshll.u32 s5, $0x1;
	s5 =	sadd.s32 s21, s3  }
0x9d: {  	[timem:s7], [sflag:s22] =	dma.local [hbm:s5], s20  }
0x9e: {  	_ =	swait.ge [sflag:s22], s20  }
0x9f: {  	s4 =	ssub.s32 $0x0, s20;
	[sflag:s22] =	ssyncset.done $0x0  }
0xa0: {  	[sflag:s22] =	ssyncadd.s32 s4;
	_ =	sdelay $0x1  }
0xa1: {  	s23 =	simm.s32 $0x1B8B  }
0xa2: {  	_ =	swait.ge [sflag:s23], $0x1  }
0xa3: {  	[sflag:s23] =	ssyncset.done $0x0  }
0xa4: {  	s25 =	simm.s32 $0x1B8E;
	s24 =	sld [smem:$0x3FFE];
	[sflag:s23] =	ssyncadd.s32 $0xFFFFFFFF  }
0xa5: {  	s26 =	simm.s32 $execute0_lowered;
	[smem:$0x3FD2] =	sst s25  }
0xa6: {  	s5 =	sshll.u32 s26, $0x1;
	_ =	strace $0x80000049;
	[dreg:$0x1] =	wrdreg $0xFFFFFFFF  }
0xa7: {  	s28 =	simm.s32 $_size_execute0_lowered;
	s3 =	sadd.s32 s3, s5;
	[dreg:$0x0] =	wrdreg $0x0  }
0xa8: {  	s5 =	sshll.u32 s28, $0x1;
	[dreg:$0x2] =	wrdreg s3  }
0xa9: {  	[dreg:$0x3] =	wrdreg s5  }
0xaa: {  	[dreg:$0x4] =	wrdreg $0xC0  }
0xab: {  	_ =	task [dreg:s7], $0x5FFFF  }
0xac: {  	[dreg:$0x1] =	wrdreg $0xFFFFFFFF  }
0xad: {  	[dreg:$0x0] =	wrdreg $0x60  }
0xae: {  	[dreg:$0x2] =	wrdreg s2  }
0xaf: {  	[dreg:$0x3] =	wrdreg s24  }
0xb0: {  	[dreg:$0x4] =	wrdreg $0x9  }
0xb1: {  	_ =	task.clear_ibuf [dreg:s7], $0x5FFFF;
	_ =	strace $0x90000049  }
0xb2: {  	s29 =	simm.s32 $0x9;
	_ =	strace $0x8000004B  }
0xb3: {  	_ =	swait.ge [sflag:s29], $0x1  }
0xb4: {  	[sflag:s29] =	ssyncadd.s32 $0xFFFFFFFF  }
0xb5: {  	_ =	strace $0x9000004B  }
0xb6: {  	_ =	sfence  }
0xb7: {  	s30 =	sld [smem:$0x0];
	_ =	sdelay $0x2  }
0xb8: {  	s31 =	sshll.u32 s1, $0xD;
	s1 =	sshrl.u32 s1, $0x2  }
0xb9: {  	s3 =	sand.u32 $0x4000, s31;
	s1 =	sadd.s32 s1, s30  }
0xba: {  	s0 =	sor.u32 s3, s0;
	s1 =	sshll.u32 s1, $0x11  }
0xbb: {  	s0 =	sor.u32 s1, s0  }
0xbc: {  	s0 =	sadd.s32 $0x8F2B, s0  }
0xbd: {  	[sflag:s0] =	ssyncadd.remote.s32 $0x1  }
0xbe: {  	_ =	sfence.sel $0xFFFF  }
0xbf: {  	[dreg:$0x0] =	wrdreg $0xFFFFFFFF;
	(pc) =	sbr.abs _section_cstart, $3  }
0xc0: {  	[dreg:$0x1] =	wrdreg $0xFFFFFFFF  }
0xc1: {  	_ =	task.clear_ibuf [dreg:s7], $0x2FFFF;
	_ =	strace $0x9FFFFFFF  }
0xc2: {  	(tm) =	ssettm $0x7FFFFFFF  }
0xc3: {  	_ =	shalt  }
tec
execute0_lowered:
.L_overlay_start_1:
0x0: {  	(tag) =	ssettag $0x1  }
0x1: {  	s0 =	rddreg [dreg:$0x0]  }
0x2: {  	s5 =	rddreg [dreg:$0x1]  }
0x3: {  	s2 =	srdreg.scid;
	s1 =	stileid.u32  }
0x4: {  	s14 =	simm.s32 $0x3;
	s15 =	simm.s32 $0x2800;
	s16 =	simm.s32 $0xF000  }
0x5: {  	s17 =	simm.s32 $0x16D00;
	s18 =	simm.s32 $0x12E80;
	s19 =	simm.s32 $0x1AB80  }
0x6: {  	s20 =	simm.s32 $0x1;
	s21 =	simm.s32 $0x5000;
	s22 =	simm.s32 $0x2  }
0x7: {  	s23 =	simm.s32 $0x7800;
	s24 =	simm.s32 $0xA000;
	s6 =	sand.u32 $0x1, s2  }
0x8: {  	s2 =	simm.s32 $0x0;
	s4 =	sshll.u32 s1, $0x1;
	s9 =	sshll.u32 s1, $0x8  }
0x9: {  	s10 =	sadd.s32 $0x33800, s5;
	s3 =	sshll.u32 s6, $0x5;
	[smem:$0x7FF] =	sst s2  }
0xa: {  	s25 =	ssub.s32 $0x2, s6;
	s26 =	sand.u32 $0x300, s9;
	s7 =	sor.u32 s4, s3  }
0xb: {  	_ =	strace $0x8000004A;
	s3 =	sadd.s32 $0x1FA00, s5;
	s4 =	sadd.s32 $0x15C00, s5  }
0xc: {  	s28 =	sshrl.u32 s25, $0x1;
	s8 =	sshrl.u32 s7, $0x3;
	s7 =	sor.u32 $0x41, s7  }
0xd: {  	s11 =	ssub.s32 s25, s28;
	s25 =	simm.s32 $0xC800;
	s8 =	smul.u32 $0x14000, s8  }
0xe: {  	s29 =	sshrl.u32 s7, $0x3;
	s7 =	sshll.u32 s7, $0x7;
	s11 =	smax.u32 s11, $0x1  }
0xf: {  	s9 =	smul.u32 $0x14000, s29;
	s7 =	sand.u32 $0x380, s7;
	s6 =	sor.u32 s26, s8  }
0x10: {  	s26 =	simm.s32 $0x0;
	s8 =	sshrl.u32 s6, $0x3;
	s13 =	sadd.s32 $0xA0000, s6  }
0x11: {  	s9 =	sor.u32 s7, s9;
	s5 =	sadd.s32 s0, s8;
	s12 =	sor.u32 $0x10, s8  }
0x12: {  	s30 =	sshrl.u32 s13, $0x3;
	s7 =	sadd.s32 s10, s8;
	s31 =	sshrl.u32 s9, $0x3  }
0x13: {  	s13 =	simm.s32 $0x400;
	s6 =	sadd.s32 s0, s12;
	s8 =	sadd.s32 s10, s30  }
0x14: {  	v0 =	vimm.f32 $0.0e+00;
	s9 =	sadd.s32 s10, s12;
	s10 =	sadd.s32 s10, s31;
	s12 =	simm.s32 $0x80  }
.LBB2_1:
0x15: {  	[tilespmem:s2], [sflag:$0x3] =	stream.strided.gather [hbm4b:s5+s12], $0x2800, s13, s12, $0x38;
	[tilespmem:$0x1EA00] =	vst v63  }
0x16: {  	_ =	swait.ge [sflag:s14], $0x2800  }
0x17: {  	[sflag:s14] =	ssyncset.done $0x0  }
0x18: {  	[sflag:s14] =	ssyncadd.s32 $0xFFFFD800  }
0x19: {  	[tilespmem:s15], [sflag:$0x3] =	stream.strided.gather [hbm4b:s6+s12], $0x2800, s13, s12, $0x38;
	[tilespmem:$0x1EA00] =	vst v63  }
0x1a: {  	_ =	swait.ge [sflag:s14], $0x2800  }
0x1b: {  	[sflag:s14] =	ssyncset.done $0x0  }
0x1c: {  	s0 =	simm.s32 $0x5040;
	[sflag:s14] =	ssyncadd.s32 $0xFFFFD800  }
0x1d: {  	[tilespmem:s0+$0xFFFFFFC0] =	vst v0  }
0x1e: {  	[tilespmem:s0+$0x30] =	vst v0  }
0x1f: {  	[tilespmem:s0+$0x20] =	vst v0  }
0x20: {  	[tilespmem:s0+$0x10] =	vst v0  }
0x21: {  	[tilespmem:s0+$0x0] =	vst v0  }
0x22: {  	[tilespmem:s0+$0xFFFFFFF0] =	vst v0  }
0x23: {  	s28 =	simm.s32 $0x0;
	[tilespmem:s0+$0xFFFFFFE0] =	vst v0  }
.LBB2_2:
0x24: {  	s28 =	sadd.s32 $0x8, s28;
	[tilespmem:s0+$0xFFFFFFD0] =	vst v0;
	s0 =	sadd.s32 $0x80, s0  }
0x25: {  	[tilespmem:s0+$0xFFFFFFC0] =	vst v0;
	p0 =	slt.u32 s28, $0x9F8  }
0x26: {  	[tilespmem:s0+$0x30] =	vst v0  }
.Ltmp0:
0x27: {  	[tilespmem:s0+$0x20] =	vst v0;
	(pc) =	sbr.rel @p0 .LBB2_2-.Ltmp0, $4  }
0x28: {  	[tilespmem:s0+$0x10] =	vst v0  }
0x29: {  	[tilespmem:s0+$0x0] =	vst v0  }
0x2a: {  	[tilespmem:s0+$0xFFFFFFF0] =	vst v0  }
0x2b: {  	[tilespmem:s0+$0xFFFFFFE0] =	vst v0  }
0x2c: {  	[tilespmem:s0+$0xFFFFFFD0] =	vst v0;
	s28 =	simm.s32 $0x0  }
0x2d: {  	[tilespmem:s16], [sflag:$0x1] =	stream.linear.gather [hbm4b:s3+s28], $0x3E80, $0x38;
	[tilespmem:$0x1EA00] =	vst v63  }
0x2e: {  	_ = 	snop  }
0x2f: {  	[tilespmem:s17], [sflag:$0x1] =	stream.linear.gather [hbm4b:s4+s28], $0x3E80, $0x38;
	[tilespmem:$0x1EA00] =	vst v63  }
.LBB2_4:
0x30: {  	s29 =	smul.u32 $0x7D00, s28;
	_ =	sdelay $0x1  }
0x31: {  	s0 =	sshrl.u32 s29, $0x3  }
0x32: {  	s0 =	sadd.s32 $0x7D0, s0  }
0x33: {  	s30 =	sadd.s32 s3, s0  }
0x34: {  	[tilespmem:s18], [sflag:$0x2] =	stream.linear.gather [hbm4b:s30+s2], $0x3E80, $0x38;
	[tilespmem:$0x1EA00] =	vst v63  }
0x35: {  	s0 =	sadd.s32 s4, s0  }
0x36: {  	[tilespmem:s19], [sflag:$0x2] =	stream.linear.gather [hbm4b:s0+s2], $0x3E80, $0x38;
	[tilespmem:$0x1EA00] =	vst v63  }
0x37: {  	_ =	swait.ge [sflag:s20], $0x3E80  }
0x38: {  	[sflag:s20] =	ssyncset.done $0x0  }
0x39: {  	[sflag:s20] =	ssyncadd.s32 $0xFFFFC180  }
0x3a: {  	_ =	swait.ge [sflag:s20], $0x3E80  }
0x3b: {  	[sflag:s20] =	ssyncset.done $0x0  }
0x3c: {  	s0 =	simm.s32 $0xF040;
	[sflag:s20] =	ssyncadd.s32 $0xFFFFC180  }
0x3d: {  	v2 =	vld [tilespmem:s0+$0xFFFFFFC0];
	_ =	sdelay $0x1  }
0x3e: {  	v14 =	vld [tilespmem:s0+$0xFFFFFFF0]  }
0x3f: {  	v6 =	vld [tilespmem:s0+$0x30];
	_ =	sdelay $0x1  }
0x40: {  	v18 =	vld [tilespmem:s0+$0x0];
	v1 =	vshrl.u32 v2, $0x10  }
0x41: {  	v22 =	vld [tilespmem:s0+$0xFFFFFFD0];
	_ =	sdelay $0x1  }
0x42: {  	v25 =	vshrl.u32 v14, $0x10;
	v12 =	vand.u32 $0x7F, v6;
	v7 =	vand.u32 $0xFFFF, v2  }
0x43: {  	v10 =	vand.u32 $0xFFFF, v6;
	v5 =	vand.u32 $0x7F, v2;
	v21 =	vshrl.u32 v6, $0x10  }
0x44: {  	s30 =	simm.s32 $0x16D40;
	v19 =	vand.u32 $0xFFFF, v18;
	v26 =	vshrl.u32 v18, $0x10;
	v29 =	vand.u32 $0x7F, v18;
	v3 =	vld.idx.msk [tilespmem:v1+s2+$0x0], $0xffff  }
0x45: {  	v16 =	vld [tilespmem:s30+$0xFFFFFFC0];
	v18 =	vshrl.u32 v22, $0x10;
	v36 =	vand.u32 $0xFFFF, v22;
	v50 =	vand.u32 $0x7F, v22  }
0x46: {  	v4 =	vadd.s32 $0x2800, v1;
	v8 =	vadd.s32 $0x5000, v7;
	v13 =	vadd.s32 $0x7800, v10  }
0x47: {  	v2 =	vadd.s32 $0x5000, v10;
	v32 =	vand.u32 $0x7F, v21;
	v28 =	vadd.s32 $0x2800, v21  }
0x48: {  	v31 =	vld [tilespmem:s0+$0xFFFFFFE0];
	v33 =	vadd.s32 $0x2800, v18;
	v4 =	vand.u32 $0x1FF80, v4;
	v1 =	vand.u32 $0x7F, v1  }
0x49: {  	v40 =	vadd.s32 $0x5000, v19;
	v44 =	vld.idx.msk [tilespmem:v26+s2+$0x0], $0xffff;
	v9 =	vor.u32 v1, v4;
	v1 =	vunpack.i.u.bf16.f32 v3  }
0x4a: {  	v38 =	vand.u32 $0x7F, v26;
	v41 =	vadd.s32 $0x2800, v26;
	v17 =	vmul.f32 v1, v16;
	v1 =	vld [tilespmem:s0+$0x20]  }
0x4b: {  	v47 =	vadd.s32 $0x7800, v36;
	v2 =	vand.u32 $0x1FF80, v2;
	v4 =	vld [tilespmem:s0+$0x10];
	v3 =	vunpack.i.l.bf16.f32 v3  }
0x4c: {  	v13 =	vand.u32 $0x1FF80, v13;
	v11 =	vmul.f32 v3, v16;
	v3 =	vadd.s32 $0x2800, v7  }
0x4d: {  	v37 =	vand.u32 $0x1FF80, v28;
	v28 =	vadd.s32 $0x5000, v36;
	v3 =	vand.u32 $0x1FF80, v3  }
0x4e: {  	v47 =	vand.u32 $0x1FF80, v47;
	v54 =	vand.u32 $0x1FF80, v28;
	v20 =	vor.u32 v5, v3  }
0x4f: {  	v28 =	vand.u32 $0x7F, v25;
	v30 =	vld.idx.msk [tilespmem:v21+s2+$0x0], $0xffff;
	v21 =	vshrl.u32 v31, $0x10;
	v23 =	vshrl.u32 v1, $0x10  }
0x50: {  	v43 =	vand.u32 $0x7F, v21;
	v57 =	vunpack.i.u.bf16.f32 v44;
	v35 =	vshrl.u32 v4, $0x10  }
0x51: {  	v27 =	vld.idx.msk [tilespmem:v9+s2+$0x0], $0xffff;
	v3 =	vor.u32 v12, v2;
	v2 =	vor.u32 v12, v13;
	v13 =	vadd.s32 $0x2800, v10  }
0x52: {  	v39 =	vand.u32 $0x7F, v35;
	[tilespmem:v7+s21+$0x0] =	vst.idx.add.f32.msk $0xffff, v11;
	v11 =	vand.u32 $0x7F, v18;
	v13 =	vand.u32 $0x1FF80, v13  }
0x53: {  	v15 =	vor.u32 v12, v13;
	v12 =	vand.u32 $0xFFFF, v14;
	v13 =	vadd.s32 $0x2800, v19;
	[tilespmem:v20+s21+$0x0] =	vst.idx.add.f32.msk $0xffff, v17  }
0x54: {  	v6 =	vand.u32 $0xFFFF, v1;
	v13 =	vand.u32 $0x1FF80, v13;
	v17 =	vand.u32 $0x1FF80, v33;
	v33 =	vld.idx.msk [tilespmem:v23+s2+$0x0], $0xffff  }
0x55: {  	v24 =	vadd.s32 $0x2800, v23;
	v45 =	vand.u32 $0x7F, v23;
	v17 =	vor.u32 v11, v17;
	v23 =	vld.idx.msk [tilespmem:v18+s2+$0x0], $0xffff  }
0x56: {  	v42 =	vld [tilespmem:s30+$0xFFFFFFD0];
	v62 =	vadd.s32 $0x7800, v12;
	v9 =	vadd.s32 $0x5000, v6;
	v13 =	vor.u32 v29, v13  }
0x57: {  	v34 =	vld.idx.msk [tilespmem:v21+s2+$0x0], $0xffff;
	v20 =	vunpack.i.u.bf16.f32 v27;
	v48 =	vand.u32 $0x1FF80, v24;
	v18 =	vadd.s32 $0x2800, v21  }
0x58: {  	v24 =	vunpack.i.l.bf16.f32 v27;
	v11 =	vmul.f32 v20, v16;
	v46 =	vand.u32 $0x1FF80, v18;
	v18 =	vld [tilespmem:s30+$0x30]  }
0x59: {  	v20 =	vadd.s32 $0x2800, v36;
	v49 =	vor.u32 v43, v46;
	v43 =	vunpack.i.l.bf16.f32 v44;
	v44 =	vld.idx.msk [tilespmem:v25+s2+$0x0], $0xffff  }
0x5a: {  	v26 =	vand.u32 $0x1FF80, v20;
	v20 =	vmul.f32 v24, v16;
	v51 =	vld.idx.msk [tilespmem:v17+s2+$0x0], $0xffff;
	v21 =	vunpack.i.l.bf16.f32 v23  }
0x5b: {  	v16 =	vadd.s32 $0x2800, v12;
	v24 =	vadd.s32 $0x2800, v6;
	v22 =	vmul.f32 v21, v42;
	v21 =	vld [tilespmem:s30+$0x0]  }
0x5c: {  	v27 =	vor.u32 v50, v26;
	v17 =	vand.u32 $0x1FF80, v16;
	v16 =	vand.u32 $0x7F, v14;
	v14 =	vld [tilespmem:s30+$0xFFFFFFF0]  }
0x5d: {  	v26 =	vor.u32 v16, v17;
	v17 =	vld [tilespmem:s30+$0x10];
	v56 =	vunpack.i.u.bf16.f32 v23;
	v23 =	vadd.s32 $0x5000, v12  }
0x5e: {  	v52 =	vunpack.i.l.bf16.f32 v33;
	v46 =	vand.u32 $0x1FF80, v23;
	v56 =	vmul.f32 v56, v42;
	[tilespmem:v36+s21+$0x0] =	vst.idx.add.f32.msk $0xffff, v22  }
0x5f: {  	v23 =	vand.u32 $0x1FF80, v62;
	v55 =	vunpack.i.u.bf16.f32 v51;
	v63 =	vunpack.i.l.bf16.f32 v51;
	v22 =	vld [tilespmem:s30+$0x20]  }
0x60: {  	s31 =	simm.s32 $0x0;
	s0 =	simm.s32 $0xF0C0;
	v51 =	vor.u32 v50, v47;
	v47 =	vld.idx.msk [tilespmem:v35+s2+$0x0], $0xffff;
	v53 =	vmul.f32 v63, v42;
	v36 =	vmul.f32 v57, v21  }
.LBB2_5:
0x61: {  	s31 =	sadd.s32 $0x8, s31;
	v55 =	vmul.f32 v55, v42;
	v42 =	vld [tilespmem:s30+$0xFFFFFFE0];
	v57 =	vadd.s32 $0x7800, v19;
	v58 =	vunpack.i.l.bf16.f32 v30;
	s30 =	sadd.s32 $0x80, s30  }
0x62: {  	v25 =	vadd.s32 $0x2800, v25;
	v45 =	vor.u32 v45, v48;
	p0 =	slt.u32 s31, $0x3E0;
	[tilespmem:v27+s21+$0x0] =	vst.idx.add.f32.msk $0xffff, v56;
	v56 =	vand.u32 $0x1FF80, v57  }
0x63: {  	v48 =	vand.u32 $0xFFFF, v31;
	v25 =	vand.u32 $0x1FF80, v25;
	v57 =	vand.u32 $0x1FF80, v40;
	v27 =	vld [tilespmem:s0+$0xFFFFFFD0]  }
0x64: {  	v50 =	vor.u32 v50, v54;
	v35 =	vadd.s32 $0x2800, v35;
	v40 =	vor.u32 v29, v56;
	v59 =	vld [tilespmem:s0+$0x20]  }
0x65: {  	v60 =	vadd.s32 $0x7800, v48;
	v61 =	vand.u32 $0x1FF80, v35;
	v56 =	vadd.s32 $0x2800, v48;
	v54 =	vld [tilespmem:s0+$0x10]  }
0x66: {  	v62 =	vunpack.i.u.bf16.f32 v34;
	v34 =	vunpack.i.l.bf16.f32 v34;
	v25 =	vor.u32 v28, v25;
	v35 =	vld [tilespmem:s0+$0xFFFFFFC0]  }
0x67: {  	v60 =	vand.u32 $0x1FF80, v60;
	v61 =	vor.u32 v39, v61;
	v63 =	vmul.f32 v34, v42;
	v28 =	vld [tilespmem:s0+$0xFFFFFFF0]  }
0x68: {  	v0 =	vand.u32 $0x7F, v31;
	v31 =	vadd.s32 $0x5000, v48;
	v29 =	vor.u32 v29, v57;
	v39 =	vld [tilespmem:s0+$0x0]  }
0x69: {  	v33 =	vunpack.i.u.bf16.f32 v33;
	v31 =	vand.u32 $0x1FF80, v31;
	v56 =	vand.u32 $0x1FF80, v56;
	v34 =	vld [tilespmem:s30+$0xFFFFFFC0]  }
0x6a: {  	[tilespmem:v50+s21+$0x0] =	vst.idx.add.f32.msk $0xffff, v53;
	v50 =	vmul.f32 v62, v42;
	v53 =	vor.u32 v0, v31;
	v31 =	vand.u32 $0x1FF80, v41  }
0x6b: {  	v41 =	vor.u32 v0, v56;
	v56 =	vld.idx.msk [tilespmem:v25+s2+$0x0], $0xffff;
	v25 =	vmul.f32 v52, v22;
	v52 =	vunpack.i.u.bf16.f32 v30  }
0x6c: {  	v32 =	vor.u32 v32, v37;
	v38 =	vor.u32 v38, v31;
	[tilespmem:v51+s21+$0x0] =	vst.idx.add.f32.msk $0xffff, v55;
	v51 =	vand.u32 $0xFFFF, v4  }
0x6d: {  	v31 =	vor.u32 v16, v46;
	v46 =	vand.u32 $0x7F, v4;
	v4 =	vmovc v54;
	v37 =	vld.idx.msk [tilespmem:v49+s2+$0x0], $0xffff;
	v49 =	vadd.s32 $0x5000, v51  }
0x6e: {  	v0 =	vor.u32 v0, v60;
	v54 =	vunpack.i.l.bf16.f32 v47;
	v55 =	vadd.s32 $0x2800, v51;
	v30 =	vld [tilespmem:s0+$0x30]  }
0x6f: {  	v47 =	vunpack.i.u.bf16.f32 v47;
	v54 =	vmul.f32 v54, v17;
	v55 =	vand.u32 $0x1FF80, v55;
	v45 =	vld.idx.msk [tilespmem:v45+s2+$0x0], $0xffff  }
0x70: {  	v57 =	vunpack.i.u.bf16.f32 v44;
	v55 =	vor.u32 v46, v55;
	[tilespmem:v6+s21+$0x0] =	vst.idx.add.f32.msk $0xffff, v25;
	v25 =	vand.u32 $0x7F, v1;
	v1 =	vmovc v59  }
0x71: {  	v57 =	vmul.f32 v57, v14;
	v47 =	vmul.f32 v47, v17;
	v59 =	vunpack.i.l.bf16.f32 v56;
	v32 =	vld.idx.msk [tilespmem:v32+s2+$0x0], $0xffff  }
0x72: {  	v43 =	vmul.f32 v43, v21;
	v44 =	vunpack.i.l.bf16.f32 v44;
	v49 =	vand.u32 $0x1FF80, v49;
	v60 =	vld.idx.msk [tilespmem:v61+s2+$0x0], $0xffff  }
0x73: {  	v58 =	vmul.f32 v58, v18;
	v62 =	vadd.s32 $0x7800, v51;
	v61 =	vunpack.i.l.bf16.f32 v37;
	v38 =	vld.idx.msk [tilespmem:v38+s2+$0x0], $0xffff  }
0x74: {  	v61 =	vmul.f32 v61, v42;
	[tilespmem:v19+s21+$0x0] =	vst.idx.add.f32.msk $0xffff, v43;
	v19 =	vand.u32 $0x1FF80, v62;
	v43 =	vmul.f32 v52, v18  }
0x75: {  	v44 =	vmul.f32 v44, v14;
	v52 =	vunpack.i.u.bf16.f32 v45;
	v45 =	vunpack.i.l.bf16.f32 v45;
	[tilespmem:v10+s21+$0x0] =	vst.idx.add.f32.msk $0xffff, v58  }
0x76: {  	v8 =	vand.u32 $0x1FF80, v8;
	v7 =	vadd.s32 $0x7800, v7;
	v45 =	vmul.f32 v45, v22;
	[tilespmem:v48+s21+$0x0] =	vst.idx.add.f32.msk $0xffff, v63  }
0x77: {  	v48 =	vmul.f32 v52, v22;
	v10 =	vunpack.i.u.bf16.f32 v32;
	v32 =	vunpack.i.l.bf16.f32 v32;
	[tilespmem:v15+s21+$0x0] =	vst.idx.add.f32.msk $0xffff, v43  }
0x78: {  	v24 =	vand.u32 $0x1FF80, v24;
	v8 =	vor.u32 v5, v8;
	v15 =	vshrl.u32 v35, $0x10;
	[tilespmem:v51+s21+$0x0] =	vst.idx.add.f32.msk $0xffff, v54  }
0x79: {  	v7 =	vand.u32 $0x1FF80, v7;
	v43 =	vunpack.i.u.bf16.f32 v38;
	v38 =	vunpack.i.l.bf16.f32 v38;
	[tilespmem:v55+s21+$0x0] =	vst.idx.add.f32.msk $0xffff, v47  }
0x7a: {  	v24 =	vor.u32 v25, v24;
	v47 =	vadd.s32 $0x2800, v15;
	[tilespmem:v12+s21+$0x0] =	vst.idx.add.f32.msk $0xffff, v44;
	v12 =	vmul.f32 v38, v21  }
0x7b: {  	v9 =	vand.u32 $0x1FF80, v9;
	v38 =	vand.u32 $0x7F, v15;
	v44 =	vand.u32 $0x1FF80, v47;
	[tilespmem:v26+s21+$0x0] =	vst.idx.add.f32.msk $0xffff, v57  }
0x7c: {  	v26 =	vor.u32 v38, v44;
	[tilespmem:v13+s21+$0x0] =	vst.idx.add.f32.msk $0xffff, v36;
	v13 =	vor.u32 v46, v49  }
0x7d: {  	v5 =	vor.u32 v5, v7;
	v21 =	vmul.f32 v43, v21;
	v36 =	vor.u32 v46, v19;
	v15 =	vld.idx.msk [tilespmem:v15+s2+$0x0], $0xffff  }
0x7e: {  	v6 =	vadd.s32 $0x7800, v6;
	v9 =	vor.u32 v25, v9;
	v7 =	vmul.f32 v32, v18;
	[tilespmem:v41+s21+$0x0] =	vst.idx.add.f32.msk $0xffff, v50  }
0x7f: {  	v6 =	vand.u32 $0x1FF80, v6;
	v19 =	vunpack.i.l.bf16.f32 v60;
	[tilespmem:v8+s21+$0x0] =	vst.idx.add.f32.msk $0xffff, v20;
	v8 =	vunpack.i.u.bf16.f32 v60  }
0x80: {  	v6 =	vor.u32 v25, v6;
	v32 =	vmul.f32 v59, v14;
	v20 =	vunpack.i.u.bf16.f32 v37;
	[tilespmem:v53+s21+$0x0] =	vst.idx.add.f32.msk $0xffff, v61  }
0x81: {  	v10 =	vmul.f32 v10, v18;
	v26 =	vld.idx.msk [tilespmem:v26+s2+$0x0], $0xffff  }
0x82: {  	v18 =	vmul.f32 v33, v22;
	[tilespmem:v3+s21+$0x0] =	vst.idx.add.f32.msk $0xffff, v7  }
0x83: {  	v3 =	vmul.f32 v20, v42;
	v20 =	vmul.f32 v8, v17;
	[tilespmem:v2+s21+$0x0] =	vst.idx.add.f32.msk $0xffff, v10  }
0x84: {  	v25 =	vshrl.u32 v28, $0x10;
	[tilespmem:v5+s21+$0x0] =	vst.idx.add.f32.msk $0xffff, v11;
	v11 =	vor.u32 v16, v23;
	v16 =	vmul.f32 v19, v17  }
0x85: {  	v8 =	vunpack.i.u.bf16.f32 v56;
	v2 =	vunpack.i.u.bf16.f32 v15;
	v5 =	vunpack.i.l.bf16.f32 v15;
	[tilespmem:v24+s21+$0x0] =	vst.idx.add.f32.msk $0xffff, v18  }
0x86: {  	v17 =	vmul.f32 v2, v34;
	v15 =	vmul.f32 v5, v34;
	v18 =	vand.u32 $0x7F, v30;
	[tilespmem:v0+s21+$0x0] =	vst.idx.add.f32.msk $0xffff, v3  }
0x87: {  	v7 =	vand.u32 $0xFFFF, v35;
	v10 =	vand.u32 $0xFFFF, v30;
	v0 =	vmul.f32 v8, v14;
	[tilespmem:v29+s21+$0x0] =	vst.idx.add.f32.msk $0xffff, v12  }
0x88: {  	v2 =	vadd.s32 $0x2800, v7;
	v8 =	vadd.s32 $0x5000, v7;
	v3 =	vadd.s32 $0x7800, v10;
	[tilespmem:v31+s21+$0x0] =	vst.idx.add.f32.msk $0xffff, v32  }
0x89: {  	v2 =	vand.u32 $0x1FF80, v2;
	v5 =	vand.u32 $0x7F, v35;
	v12 =	vadd.s32 $0x5000, v10;
	[tilespmem:v9+s21+$0x0] =	vst.idx.add.f32.msk $0xffff, v45  }
0x8a: {  	v14 =	vor.u32 v5, v2;
	v2 =	vand.u32 $0x1FF80, v12;
	v9 =	vand.u32 $0x1FF80, v3;
	[tilespmem:v6+s21+$0x0] =	vst.idx.add.f32.msk $0xffff, v48  }
0x8b: {  	v22 =	vshrl.u32 v30, $0x10;
	v3 =	vor.u32 v18, v2;
	v2 =	vor.u32 v18, v9;
	[tilespmem:v40+s21+$0x0] =	vst.idx.add.f32.msk $0xffff, v21  }
0x8c: {  	v6 =	vand.u32 $0xFFFF, v1;
	v9 =	vadd.s32 $0x2800, v10;
	v21 =	vshrl.u32 v1, $0x10;
	[tilespmem:v7+s21+$0x0] =	vst.idx.add.f32.msk $0xffff, v15  }
0x8d: {  	v35 =	vshrl.u32 v4, $0x10;
	v9 =	vand.u32 $0x1FF80, v9;
	v23 =	vadd.s32 $0x2800, v21;
	[tilespmem:v11+s21+$0x0] =	vst.idx.add.f32.msk $0xffff, v0  }
0x8e: {  	v19 =	vand.u32 $0xFFFF, v39;
	v15 =	vor.u32 v18, v9;
	v0 =	vshrl.u32 v39, $0x10;
	[tilespmem:v13+s21+$0x0] =	vst.idx.add.f32.msk $0xffff, v16  }
0x8f: {  	v12 =	vand.u32 $0xFFFF, v28;
	v9 =	vadd.s32 $0x5000, v6;
	v11 =	vadd.s32 $0x2800, v19;
	[tilespmem:v36+s21+$0x0] =	vst.idx.add.f32.msk $0xffff, v20  }
0x90: {  	v29 =	vand.u32 $0x7F, v39;
	v32 =	vand.u32 $0x7F, v22;
	v11 =	vand.u32 $0x1FF80, v11;
	v31 =	vld [tilespmem:s0+$0xFFFFFFE0]  }
0x91: {  	v13 =	vor.u32 v29, v11;
	v11 =	vadd.s32 $0x2800, v22;
	[tilespmem:v14+s21+$0x0] =	vst.idx.add.f32.msk $0xffff, v17;
	v14 =	vshrl.u32 v27, $0x10  }
0x92: {  	v37 =	vand.u32 $0x1FF80, v11;
	v16 =	vand.u32 $0x7F, v14;
	v17 =	vadd.s32 $0x2800, v14;
	v30 =	vld.idx.msk [tilespmem:v22+s2+$0x0], $0xffff  }
0x93: {  	v40 =	vadd.s32 $0x5000, v19;
	v45 =	vand.u32 $0x7F, v21;
	v22 =	vand.u32 $0xFFFF, v27  }
0x94: {  	v39 =	vand.u32 $0x7F, v35;
	v38 =	vand.u32 $0x7F, v0;
	v11 =	vand.u32 $0x1FF80, v17  }
0x95: {  	v17 =	vunpack.i.u.bf16.f32 v26;
	v16 =	vor.u32 v16, v11;
	v36 =	vshrl.u32 v31, $0x10;
	v33 =	vld.idx.msk [tilespmem:v21+s2+$0x0], $0xffff  }
0x96: {  	v11 =	vmul.f32 v17, v34;
	v14 =	vld.idx.msk [tilespmem:v14+s2+$0x0], $0xffff;
	v43 =	vand.u32 $0x7F, v36;
	v17 =	vadd.s32 $0x2800, v36  }
0x97: {  	v48 =	vand.u32 $0x1FF80, v23;
	v41 =	vadd.s32 $0x2800, v0;
	v18 =	vadd.s32 $0x2800, v22;
	v44 =	vld.idx.msk [tilespmem:v0+s2+$0x0], $0xffff  }
0x98: {  	v21 =	vand.u32 $0x1FF80, v18;
	v0 =	vunpack.i.l.bf16.f32 v26;
	v23 =	vand.u32 $0x1FF80, v17;
	v42 =	vld [tilespmem:s30+$0xFFFFFFD0]  }
0x99: {  	v17 =	vadd.s32 $0x7800, v22;
	v20 =	vmul.f32 v0, v34;
	v0 =	vadd.s32 $0x5000, v22;
	v18 =	vld [tilespmem:s30+$0x30]  }
0x9a: {  	v50 =	vand.u32 $0x7F, v27;
	v24 =	vadd.s32 $0x2800, v6;
	v46 =	vld.idx.msk [tilespmem:v16+s2+$0x0], $0xffff;
	v16 =	vadd.s32 $0x2800, v12  }
0x9b: {  	v27 =	vor.u32 v50, v21;
	v34 =	vld.idx.msk [tilespmem:v36+s2+$0x0], $0xffff;
	v21 =	vand.u32 $0x1FF80, v16;
	v16 =	vand.u32 $0x7F, v28  }
0x9c: {  	v47 =	vadd.s32 $0x5000, v12;
	v36 =	vunpack.i.u.bf16.f32 v14;
	v26 =	vunpack.i.l.bf16.f32 v14;
	v14 =	vld [tilespmem:s30+$0xFFFFFFF0]  }
0x9d: {  	v57 =	vunpack.i.u.bf16.f32 v44;
	v49 =	vmul.f32 v26, v42;
	v26 =	vor.u32 v16, v21;
	v21 =	vld [tilespmem:s30+$0x0]  }
.Ltmp1:
0x9e: {  	v54 =	vand.u32 $0x1FF80, v0;
	v0 =	vand.u32 $0x1FF80, v17;
	v28 =	vand.u32 $0x7F, v25;
	v17 =	vld [tilespmem:s30+$0x10];
	(pc) =	sbr.rel @p0 .LBB2_5-.Ltmp1, $4  }
0x9f: {  	[tilespmem:v22+s21+$0x0] =	vst.idx.add.f32.msk $0xffff, v49;
	v49 =	vor.u32 v43, v23;
	v23 =	vadd.s32 $0x7800, v12;
	v43 =	vunpack.i.l.bf16.f32 v44  }
0xa0: {  	v51 =	vor.u32 v50, v0;
	v55 =	vunpack.i.u.bf16.f32 v46;
	v44 =	vunpack.i.l.bf16.f32 v46;
	v22 =	vld [tilespmem:s30+$0x20]  }
0xa1: {  	v52 =	vunpack.i.l.bf16.f32 v33;
	v46 =	vand.u32 $0x1FF80, v47;
	v53 =	vmul.f32 v44, v42;
	v47 =	vld.idx.msk [tilespmem:v35+s2+$0x0], $0xffff  }
0xa2: {  	s0 =	sadd.s32 $0x80, s0;
	v56 =	vmul.f32 v36, v42;
	v23 =	vand.u32 $0x1FF80, v23;
	v44 =	vld.idx.msk [tilespmem:v25+s2+$0x0], $0xffff;
	v36 =	vmul.f32 v57, v21  }
0xa3: {  	_ =	sdelay $0x1  }
0xa4: {  	v0 =	vadd.s32 $0x2800, v25;
	v25 =	vor.u32 v50, v54  }
0xa5: {  	v32 =	vor.u32 v32, v37  }
0xa6: {  	v35 =	vadd.s32 $0x2800, v35;
	v0 =	vand.u32 $0x1FF80, v0;
	[tilespmem:v27+s21+$0x0] =	vst.idx.add.f32.msk $0xffff, v56  }
0xa7: {  	v42 =	vmul.f32 v55, v42;
	v35 =	vand.u32 $0x1FF80, v35;
	v0 =	vor.u32 v28, v0;
	v28 =	vld [tilespmem:s30+$0xFFFFFFE0]  }
0xa8: {  	v55 =	vunpack.i.l.bf16.f32 v30;
	v27 =	vor.u32 v45, v48;
	v35 =	vor.u32 v39, v35;
	v39 =	vld.idx.msk [tilespmem:v49+s2+$0x0], $0xffff  }
0xa9: {  	v48 =	vmul.f32 v55, v18;
	[tilespmem:v25+s21+$0x0] =	vst.idx.add.f32.msk $0xffff, v53  }
0xaa: {  	v54 =	vadd.s32 $0x7800, v19;
	v37 =	vand.u32 $0xFFFF, v31;
	v8 =	vand.u32 $0x1FF80, v8;
	v32 =	vld.idx.msk [tilespmem:v32+s2+$0x0], $0xffff  }
0xab: {  	v40 =	vand.u32 $0x1FF80, v40;
	v59 =	vunpack.i.l.bf16.f32 v34;
	v8 =	vor.u32 v5, v8;
	[tilespmem:v10+s21+$0x0] =	vst.idx.add.f32.msk $0xffff, v48  }
0xac: {  	v61 =	vunpack.i.u.bf16.f32 v34;
	v30 =	vunpack.i.u.bf16.f32 v30;
	v57 =	vmul.f32 v52, v22;
	[tilespmem:v51+s21+$0x0] =	vst.idx.add.f32.msk $0xffff, v42  }
0xad: {  	v31 =	vand.u32 $0x7F, v31;
	v56 =	vand.u32 $0x1FF80, v41;
	v30 =	vmul.f32 v30, v18;
	v27 =	vld.idx.msk [tilespmem:v27+s2+$0x0], $0xffff  }
0xae: {  	v62 =	vand.u32 $0xFFFF, v4;
	v7 =	vadd.s32 $0x7800, v7;
	v38 =	vor.u32 v38, v56;
	[tilespmem:v6+s21+$0x0] =	vst.idx.add.f32.msk $0xffff, v57  }
0xaf: {  	v43 =	vmul.f32 v43, v21;
	v4 =	vand.u32 $0x7F, v4;
	v7 =	vand.u32 $0x1FF80, v7;
	[tilespmem:v15+s21+$0x0] =	vst.idx.add.f32.msk $0xffff, v30  }
0xb0: {  	v33 =	vunpack.i.u.bf16.f32 v33;
	v1 =	vand.u32 $0x7F, v1;
	v5 =	vor.u32 v5, v7;
	[tilespmem:v8+s21+$0x0] =	vst.idx.add.f32.msk $0xffff, v20  }
0xb1: {  	v24 =	vand.u32 $0x1FF80, v24;
	v58 =	vadd.s32 $0x2800, v37;
	v60 =	vadd.s32 $0x7800, v37;
	v0 =	vld.idx.msk [tilespmem:v0+s2+$0x0], $0xffff  }
0xb2: {  	v63 =	vadd.s32 $0x5000, v37;
	v41 =	vand.u32 $0x1FF80, v60;
	v25 =	vand.u32 $0x1FF80, v54;
	v35 =	vld.idx.msk [tilespmem:v35+s2+$0x0], $0xffff  }
0xb3: {  	v56 =	vunpack.i.l.bf16.f32 v47;
	v54 =	vadd.s32 $0x2800, v62;
	v25 =	vor.u32 v29, v25;
	v38 =	vld.idx.msk [tilespmem:v38+s2+$0x0], $0xffff  }
0xb4: {  	v51 =	vand.u32 $0x1FF80, v54;
	v29 =	vor.u32 v29, v40;
	v42 =	vmul.f32 v56, v17;
	[tilespmem:v19+s21+$0x0] =	vst.idx.add.f32.msk $0xffff, v43  }
0xb5: {  	v57 =	vunpack.i.u.bf16.f32 v47;
	v8 =	vor.u32 v31, v41;
	v45 =	vmul.f32 v59, v28;
	[tilespmem:v5+s21+$0x0] =	vst.idx.add.f32.msk $0xffff, v11  }
0xb6: {  	v55 =	vor.u32 v4, v51;
	v19 =	vand.u32 $0x1FF80, v58;
	v58 =	vunpack.i.l.bf16.f32 v44;
	[tilespmem:v62+s21+$0x0] =	vst.idx.add.f32.msk $0xffff, v42  }
0xb7: {  	v15 =	vunpack.i.u.bf16.f32 v44;
	v19 =	vor.u32 v31, v19;
	v30 =	vmul.f32 v58, v14;
	[tilespmem:v13+s21+$0x0] =	vst.idx.add.f32.msk $0xffff, v36  }
0xb8: {  	v10 =	vmul.f32 v61, v28;
	v59 =	vand.u32 $0x1FF80, v63;
	v15 =	vmul.f32 v15, v14;
	[tilespmem:v37+s21+$0x0] =	vst.idx.add.f32.msk $0xffff, v45  }
0xb9: {  	v9 =	vand.u32 $0x1FF80, v9;
	v34 =	vmul.f32 v57, v17;
	v60 =	vor.u32 v31, v59;
	[tilespmem:v12+s21+$0x0] =	vst.idx.add.f32.msk $0xffff, v30  }
0xba: {  	v61 =	vor.u32 v16, v46;
	v5 =	vadd.s32 $0x7800, v62;
	v13 =	vunpack.i.l.bf16.f32 v32;
	[tilespmem:v26+s21+$0x0] =	vst.idx.add.f32.msk $0xffff, v15  }
0xbb: {  	v30 =	vunpack.i.l.bf16.f32 v39;
	v7 =	vunpack.i.u.bf16.f32 v32;
	v13 =	vmul.f32 v13, v18;
	[tilespmem:v55+s21+$0x0] =	vst.idx.add.f32.msk $0xffff, v34  }
0xbc: {  	v12 =	vadd.s32 $0x5000, v62;
	v15 =	vmul.f32 v30, v28;
	v7 =	vmul.f32 v7, v18;
	[tilespmem:v19+s21+$0x0] =	vst.idx.add.f32.msk $0xffff, v10  }
0xbd: {  	v10 =	vor.u32 v1, v24;
	[tilespmem:v3+s21+$0x0] =	vst.idx.add.f32.msk $0xffff, v13;
	v3 =	vadd.s32 $0x7800, v6;
	v6 =	vunpack.i.u.bf16.f32 v39  }
0xbe: {  	v19 =	vunpack.i.l.bf16.f32 v0;
	[tilespmem:v60+s21+$0x0] =	vst.idx.add.f32.msk $0xffff, v15;
	v15 =	vunpack.i.l.bf16.f32 v38;
	v6 =	vmul.f32 v6, v28  }
0xbf: {  	[tilespmem:v2+s21+$0x0] =	vst.idx.add.f32.msk $0xffff, v7;
	v2 =	vor.u32 v1, v9;
	v3 =	vand.u32 $0x1FF80, v3;
	v9 =	vmul.f32 v19, v14  }
0xc0: {  	v12 =	vand.u32 $0x1FF80, v12;
	v7 =	vmul.f32 v15, v21;
	v1 =	vor.u32 v1, v3;
	[tilespmem:v8+s21+$0x0] =	vst.idx.add.f32.msk $0xffff, v6  }
0xc1: {  	v13 =	vmul.f32 v33, v22;
	v3 =	vand.u32 $0x1FF80, v5;
	v5 =	vunpack.i.l.bf16.f32 v27;
	[tilespmem:v61+s21+$0x0] =	vst.idx.add.f32.msk $0xffff, v9  }
0xc2: {  	v6 =	vunpack.i.u.bf16.f32 v27;
	v5 =	vmul.f32 v5, v22;
	v8 =	vor.u32 v16, v23;
	[tilespmem:v29+s21+$0x0] =	vst.idx.add.f32.msk $0xffff, v7  }
0xc3: {  	v6 =	vmul.f32 v6, v22;
	v7 =	vunpack.i.u.bf16.f32 v38;
	[tilespmem:v10+s21+$0x0] =	vst.idx.add.f32.msk $0xffff, v13;
	v10 =	vor.u32 v4, v12  }
0xc4: {  	v0 =	vunpack.i.u.bf16.f32 v0;
	v3 =	vor.u32 v4, v3;
	v7 =	vmul.f32 v7, v21;
	[tilespmem:v2+s21+$0x0] =	vst.idx.add.f32.msk $0xffff, v5  }
0xc5: {  	v0 =	vmul.f32 v0, v14;
	v2 =	vunpack.i.l.bf16.f32 v35;
	[tilespmem:v1+s21+$0x0] =	vst.idx.add.f32.msk $0xffff, v6  }
0xc6: {  	p0 =	seq.s32 s28, $0x9;
	v1 =	vunpack.i.u.bf16.f32 v35;
	v2 =	vmul.f32 v2, v17;
	[tilespmem:v25+s21+$0x0] =	vst.idx.add.f32.msk $0xffff, v7  }
0xc7: {  	s0 =	sshrl.u32 @!p0 s29, $0x3;
	v1 =	vmul.f32 v1, v17;
	[tilespmem:v8+s21+$0x0] =	vst.idx.add.f32.msk $0xffff, v0  }
0xc8: {  	s0 =	sadd.s32 @!p0 $0xFA0, s0;
	[tilespmem:v10+s21+$0x0] =	vst.idx.add.f32.msk $0xffff, v2  }
0xc9: {  	s31 =	simm.s32 @!p0 $0xF000;
	s30 =	simm.s32 @!p0 $0x0;
	s29 =	sadd.s32 @!p0 s3, s0;
	[tilespmem:v3+s21+$0x0] =	vst.idx.add.f32.msk $0xffff, v1  }
0xca: {  	[tilespmem:s31], [sflag:$0x1] =	stream.linear.gather @!p0 [hbm4b:s29+s30], $0x3E80, $0x38;
	[tilespmem:$0x1EA00] =	vst v63  }
0xcb: {  	s0 =	sadd.s32 @!p0 s4, s0;
	s29 =	simm.s32 @!p0 $0x16D00  }
0xcc: {  	[tilespmem:s29], [sflag:$0x1] =	stream.linear.gather @!p0 [hbm4b:s0+s30], $0x3E80, $0x38;
	[tilespmem:$0x1EA00] =	vst v63  }
0xcd: {  	_ =	swait.ge [sflag:s22], $0x3E80  }
0xce: {  	[sflag:s22] =	ssyncset.done $0x0  }
0xcf: {  	[sflag:s22] =	ssyncadd.s32 $0xFFFFC180  }
0xd0: {  	_ =	swait.ge [sflag:s22], $0x3E80  }
0xd1: {  	[sflag:s22] =	ssyncset.done $0x0  }
0xd2: {  	s31 =	simm.s32 $0x12EC0;
	[sflag:s22] =	ssyncadd.s32 $0xFFFFC180  }
0xd3: {  	v0 =	vld [tilespmem:s31+$0xFFFFFFC0]  }
0xd4: {  	v14 =	vld [tilespmem:s31+$0xFFFFFFF0]  }
0xd5: {  	v3 =	vld [tilespmem:s31+$0x30];
	_ =	sdelay $0x1  }
0xd6: {  	v13 =	vld [tilespmem:s31+$0x0]  }
0xd7: {  	v1 =	vshrl.u32 v0, $0x10;
	_ =	sdelay $0x1  }
0xd8: {  	v25 =	vshrl.u32 v14, $0x10;
	v12 =	vand.u32 $0x7F, v3;
	v7 =	vand.u32 $0xFFFF, v0  }
0xd9: {  	v10 =	vand.u32 $0xFFFF, v3;
	v5 =	vand.u32 $0x7F, v0;
	v20 =	vshrl.u32 v3, $0x10  }
0xda: {  	v19 =	vand.u32 $0xFFFF, v13;
	v23 =	vshrl.u32 v13, $0x10;
	v29 =	vand.u32 $0x7F, v13  }
0xdb: {  	s29 =	simm.s32 $0x1ABC0;
	v4 =	vadd.s32 $0x2800, v1;
	v8 =	vadd.s32 $0x5000, v7;
	v6 =	vadd.s32 $0x7800, v10;
	v2 =	vld.idx.msk [tilespmem:v1+s2+$0x0], $0xffff  }
0xdc: {  	v16 =	vld [tilespmem:s29+$0xFFFFFFC0];
	v0 =	vadd.s32 $0x5000, v10;
	v15 =	vadd.s32 $0x2800, v10;
	v26 =	vadd.s32 $0x2800, v19  }
0xdd: {  	v32 =	vand.u32 $0x7F, v20;
	v40 =	vadd.s32 $0x5000, v19;
	v38 =	vand.u32 $0x7F, v23  }
0xde: {  	v31 =	vld [tilespmem:s31+$0xFFFFFFE0];
	v41 =	vadd.s32 $0x2800, v23;
	v4 =	vand.u32 $0x1FF80, v4;
	v0 =	vand.u32 $0x1FF80, v0  }
0xdf: {  	v15 =	vand.u32 $0x1FF80, v15;
	v3 =	vor.u32 v12, v0;
	v0 =	vld [tilespmem:s31+$0xFFFFFFD0];
	v1 =	vand.u32 $0x7F, v1  }
0xe0: {  	v26 =	vand.u32 $0x1FF80, v26;
	v9 =	vor.u32 v1, v4;
	v1 =	vunpack.i.u.bf16.f32 v2  }
0xe1: {  	v13 =	vor.u32 v29, v26;
	v26 =	vadd.s32 $0x2800, v20;
	v17 =	vmul.f32 v1, v16;
	v1 =	vld [tilespmem:s31+$0x20]  }
0xe2: {  	v15 =	vor.u32 v12, v15;
	v37 =	vand.u32 $0x1FF80, v26;
	v57 =	vld.idx.msk [tilespmem:v23+s2+$0x0], $0xffff;
	v2 =	vunpack.i.l.bf16.f32 v2  }
0xe3: {  	v26 =	vshrl.u32 v31, $0x10;
	v4 =	vld [tilespmem:s31+$0x10];
	v11 =	vmul.f32 v2, v16;
	v2 =	vadd.s32 $0x2800, v7  }
0xe4: {  	v63 =	vand.u32 $0x7F, v26;
	v27 =	vshrl.u32 v0, $0x10;
	v2 =	vand.u32 $0x1FF80, v2  }
0xe5: {  	v62 =	vand.u32 $0xFFFF, v0;
	v50 =	vand.u32 $0x7F, v0;
	v18 =	vor.u32 v5, v2  }
0xe6: {  	v30 =	vld.idx.msk [tilespmem:v20+s2+$0x0], $0xffff;
	v28 =	vadd.s32 $0x2800, v27;
	v20 =	vadd.s32 $0x2800, v62;
	v21 =	vshrl.u32 v1, $0x10  }
0xe7: {  	v42 =	vld [tilespmem:s29+$0xFFFFFFD0];
	v23 =	vand.u32 $0x1FF80, v20;
	v43 =	vunpack.i.l.bf16.f32 v57;
	v2 =	vand.u32 $0x1FF80, v6  }
0xe8: {  	v35 =	vshrl.u32 v4, $0x10;
	v24 =	vld.idx.msk [tilespmem:v9+s2+$0x0], $0xffff;
	v2 =	vor.u32 v12, v2;
	v12 =	vand.u32 $0xFFFF, v14  }
0xe9: {  	v39 =	vand.u32 $0x7F, v35;
	[tilespmem:v7+s21+$0x0] =	vst.idx.add.f32.msk $0xffff, v11;
	v11 =	vand.u32 $0x7F, v27;
	v0 =	vadd.s32 $0x2800, v12  }
0xea: {  	v60 =	vadd.s32 $0x5000, v12;
	v6 =	vand.u32 $0xFFFF, v1;
	[tilespmem:v18+s21+$0x0] =	vst.idx.add.f32.msk $0xffff, v17;
	v17 =	vand.u32 $0x1FF80, v28  }
0xeb: {  	v0 =	vand.u32 $0x1FF80, v0;
	v46 =	vand.u32 $0x1FF80, v60;
	v17 =	vor.u32 v11, v17;
	v33 =	vld.idx.msk [tilespmem:v21+s2+$0x0], $0xffff  }
0xec: {  	v22 =	vadd.s32 $0x2800, v21;
	v9 =	vadd.s32 $0x5000, v6;
	v45 =	vand.u32 $0x7F, v21;
	v21 =	vld.idx.msk [tilespmem:v27+s2+$0x0], $0xffff  }
0xed: {  	v44 =	vld.idx.msk [tilespmem:v25+s2+$0x0], $0xffff;
	v18 =	vunpack.i.u.bf16.f32 v24;
	v48 =	vand.u32 $0x1FF80, v22;
	v22 =	vunpack.i.l.bf16.f32 v24  }
0xee: {  	v34 =	vld.idx.msk [tilespmem:v26+s2+$0x0], $0xffff;
	v28 =	vadd.s32 $0x7800, v62;
	v24 =	vadd.s32 $0x2800, v6;
	v11 =	vmul.f32 v18, v16  }
0xef: {  	v47 =	vld.idx.msk [tilespmem:v35+s2+$0x0], $0xffff;
	v18 =	vadd.s32 $0x2800, v26;
	v20 =	vmul.f32 v22, v16;
	v16 =	vand.u32 $0x7F, v14  }
0xf0: {  	v22 =	vadd.s32 $0x5000, v62;
	v58 =	vand.u32 $0x1FF80, v18;
	v26 =	vor.u32 v16, v0;
	v59 =	vld.idx.msk [tilespmem:v17+s2+$0x0], $0xffff  }
0xf1: {  	v27 =	vor.u32 v50, v23;
	v23 =	vunpack.i.u.bf16.f32 v21;
	v17 =	vunpack.i.l.bf16.f32 v21;
	v21 =	vld [tilespmem:s29+$0x0]  }
0xf2: {  	v14 =	vld [tilespmem:s29+$0xFFFFFFF0];
	v0 =	vunpack.i.u.bf16.f32 v57;
	v54 =	vand.u32 $0x1FF80, v22;
	v22 =	vand.u32 $0x1FF80, v28  }
0xf3: {  	v18 =	vld [tilespmem:s29+$0x30];
	v28 =	vand.u32 $0x7F, v25;
	v49 =	vor.u32 v63, v58;
	v61 =	vmul.f32 v17, v42  }
0xf4: {  	v51 =	vor.u32 v50, v22;
	v22 =	vld [tilespmem:s29+$0x20];
	v52 =	vunpack.i.l.bf16.f32 v33;
	v56 =	vmul.f32 v23, v42  }
0xf5: {  	[tilespmem:v62+s21+$0x0] =	vst.idx.add.f32.msk $0xffff, v61;
	v62 =	vadd.s32 $0x7800, v12;
	v55 =	vunpack.i.u.bf16.f32 v59;
	v63 =	vunpack.i.l.bf16.f32 v59  }
0xf6: {  	s30 =	simm.s32 $0x0;
	s0 =	simm.s32 $0x12F40;
	v17 =	vld [tilespmem:s29+$0x10];
	v53 =	vmul.f32 v63, v42;
	v23 =	vand.u32 $0x1FF80, v62;
	v36 =	vmul.f32 v0, v21  }
.LBB2_7:
0xf7: {  	s30 =	sadd.s32 $0x8, s30;
	v0 =	vmul.f32 v55, v42;
	v42 =	vld [tilespmem:s29+$0xFFFFFFE0];
	v55 =	vadd.s32 $0x7800, v19;
	v57 =	vunpack.i.l.bf16.f32 v30;
	s29 =	sadd.s32 $0x80, s29  }
0xf8: {  	v25 =	vadd.s32 $0x2800, v25;
	v45 =	vor.u32 v45, v48;
	p0 =	slt.u32 s30, $0x3E0;
	[tilespmem:v27+s21+$0x0] =	vst.idx.add.f32.msk $0xffff, v56;
	v55 =	vand.u32 $0x1FF80, v55  }
0xf9: {  	v48 =	vand.u32 $0xFFFF, v31;
	v25 =	vand.u32 $0x1FF80, v25;
	v56 =	vand.u32 $0x1FF80, v40;
	v27 =	vld [tilespmem:s0+$0xFFFFFFD0]  }
0xfa: {  	v50 =	vor.u32 v50, v54;
	v35 =	vadd.s32 $0x2800, v35;
	v40 =	vor.u32 v29, v55;
	v58 =	vld [tilespmem:s0+$0x20]  }
0xfb: {  	v59 =	vadd.s32 $0x7800, v48;
	v60 =	vand.u32 $0x1FF80, v35;
	v55 =	vadd.s32 $0x2800, v48;
	v54 =	vld [tilespmem:s0+$0x10]  }
0xfc: {  	v61 =	vunpack.i.u.bf16.f32 v34;
	v34 =	vunpack.i.l.bf16.f32 v34;
	v25 =	vor.u32 v28, v25;
	v35 =	vld [tilespmem:s0+$0xFFFFFFC0]  }
0xfd: {  	v59 =	vand.u32 $0x1FF80, v59;
	v60 =	vor.u32 v39, v60;
	v62 =	vmul.f32 v34, v42;
	v28 =	vld [tilespmem:s0+$0xFFFFFFF0]  }
0xfe: {  	v63 =	vand.u32 $0x7F, v31;
	v31 =	vadd.s32 $0x5000, v48;
	v29 =	vor.u32 v29, v56;
	v39 =	vld [tilespmem:s0+$0x0]  }
0xff: {  	v33 =	vunpack.i.u.bf16.f32 v33;
	v31 =	vand.u32 $0x1FF80, v31;
	v55 =	vand.u32 $0x1FF80, v55;
	v34 =	vld [tilespmem:s29+$0xFFFFFFC0]  }
0x100: {  	[tilespmem:v50+s21+$0x0] =	vst.idx.add.f32.msk $0xffff, v53;
	v50 =	vmul.f32 v61, v42;
	v53 =	vor.u32 v63, v31;
	v31 =	vand.u32 $0x1FF80, v41  }
0x101: {  	v41 =	vor.u32 v63, v55;
	v55 =	vld.idx.msk [tilespmem:v25+s2+$0x0], $0xffff;
	v25 =	vmul.f32 v52, v22;
	v52 =	vunpack.i.u.bf16.f32 v30  }
0x102: {  	v32 =	vor.u32 v32, v37;
	[tilespmem:v51+s21+$0x0] =	vst.idx.add.f32.msk $0xffff, v0;
	v0 =	vor.u32 v38, v31;
	v38 =	vand.u32 $0xFFFF, v4  }
0x103: {  	v31 =	vor.u32 v16, v46;
	v46 =	vand.u32 $0x7F, v4;
	v4 =	vmovc v54;
	v37 =	vld.idx.msk [tilespmem:v49+s2+$0x0], $0xffff;
	v49 =	vadd.s32 $0x5000, v38  }
0x104: {  	v51 =	vor.u32 v63, v59;
	v54 =	vunpack.i.l.bf16.f32 v47;
	v56 =	vadd.s32 $0x2800, v38;
	v30 =	vld [tilespmem:s0+$0x30]  }
0x105: {  	v47 =	vunpack.i.u.bf16.f32 v47;
	v54 =	vmul.f32 v54, v17;
	v56 =	vand.u32 $0x1FF80, v56;
	v45 =	vld.idx.msk [tilespmem:v45+s2+$0x0], $0xffff  }
0x106: {  	v59 =	vunpack.i.u.bf16.f32 v44;
	v56 =	vor.u32 v46, v56;
	[tilespmem:v6+s21+$0x0] =	vst.idx.add.f32.msk $0xffff, v25;
	v25 =	vand.u32 $0x7F, v1;
	v1 =	vmovc v58  }
0x107: {  	v47 =	vmul.f32 v47, v17;
	v58 =	vmul.f32 v59, v14;
	v59 =	vunpack.i.l.bf16.f32 v55;
	v32 =	vld.idx.msk [tilespmem:v32+s2+$0x0], $0xffff  }
0x108: {  	v43 =	vmul.f32 v43, v21;
	v44 =	vunpack.i.l.bf16.f32 v44;
	v49 =	vand.u32 $0x1FF80, v49;
	v60 =	vld.idx.msk [tilespmem:v60+s2+$0x0], $0xffff  }
0x109: {  	v57 =	vmul.f32 v57, v18;
	v63 =	vadd.s32 $0x7800, v38;
	v61 =	vunpack.i.l.bf16.f32 v37;
	v0 =	vld.idx.msk [tilespmem:v0+s2+$0x0], $0xffff  }
0x10a: {  	v61 =	vmul.f32 v61, v42;
	[tilespmem:v19+s21+$0x0] =	vst.idx.add.f32.msk $0xffff, v43;
	v19 =	vand.u32 $0x1FF80, v63;
	v43 =	vmul.f32 v52, v18  }
0x10b: {  	v44 =	vmul.f32 v44, v14;
	v52 =	vunpack.i.u.bf16.f32 v45;
	v45 =	vunpack.i.l.bf16.f32 v45;
	[tilespmem:v10+s21+$0x0] =	vst.idx.add.f32.msk $0xffff, v57  }
0x10c: {  	v8 =	vand.u32 $0x1FF80, v8;
	v7 =	vadd.s32 $0x7800, v7;
	v45 =	vmul.f32 v45, v22;
	[tilespmem:v48+s21+$0x0] =	vst.idx.add.f32.msk $0xffff, v62  }
0x10d: {  	v48 =	vmul.f32 v52, v22;
	v10 =	vunpack.i.u.bf16.f32 v32;
	v32 =	vunpack.i.l.bf16.f32 v32;
	[tilespmem:v15+s21+$0x0] =	vst.idx.add.f32.msk $0xffff, v43  }
0x10e: {  	v24 =	vand.u32 $0x1FF80, v24;
	v8 =	vor.u32 v5, v8;
	v15 =	vshrl.u32 v35, $0x10;
	[tilespmem:v38+s21+$0x0] =	vst.idx.add.f32.msk $0xffff, v54  }
0x10f: {  	v7 =	vand.u32 $0x1FF80, v7;
	v38 =	vunpack.i.u.bf16.f32 v0;
	v0 =	vunpack.i.l.bf16.f32 v0;
	[tilespmem:v56+s21+$0x0] =	vst.idx.add.f32.msk $0xffff, v47  }
0x110: {  	v43 =	vadd.s32 $0x2800, v15;
	v0 =	vmul.f32 v0, v21;
	[tilespmem:v12+s21+$0x0] =	vst.idx.add.f32.msk $0xffff, v44;
	v12 =	vor.u32 v25, v24  }
0x111: {  	v9 =	vand.u32 $0x1FF80, v9;
	v43 =	vand.u32 $0x1FF80, v43;
	v24 =	vand.u32 $0x7F, v15;
	[tilespmem:v26+s21+$0x0] =	vst.idx.add.f32.msk $0xffff, v58  }
0x112: {  	v24 =	vor.u32 v24, v43;
	[tilespmem:v13+s21+$0x0] =	vst.idx.add.f32.msk $0xffff, v36;
	v13 =	vor.u32 v46, v49  }
0x113: {  	v5 =	vor.u32 v5, v7;
	v21 =	vmul.f32 v38, v21;
	v26 =	vor.u32 v46, v19;
	v15 =	vld.idx.msk [tilespmem:v15+s2+$0x0], $0xffff  }
0x114: {  	v6 =	vadd.s32 $0x7800, v6;
	v9 =	vor.u32 v25, v9;
	v7 =	vmul.f32 v32, v18;
	[tilespmem:v41+s21+$0x0] =	vst.idx.add.f32.msk $0xffff, v50  }
0x115: {  	v6 =	vand.u32 $0x1FF80, v6;
	v19 =	vunpack.i.l.bf16.f32 v60;
	[tilespmem:v8+s21+$0x0] =	vst.idx.add.f32.msk $0xffff, v20;
	v8 =	vunpack.i.u.bf16.f32 v60  }
0x116: {  	v6 =	vor.u32 v25, v6;
	v32 =	vmul.f32 v59, v14;
	v20 =	vunpack.i.u.bf16.f32 v37;
	[tilespmem:v53+s21+$0x0] =	vst.idx.add.f32.msk $0xffff, v61  }
0x117: {  	v10 =	vmul.f32 v10, v18;
	v24 =	vld.idx.msk [tilespmem:v24+s2+$0x0], $0xffff  }
0x118: {  	v18 =	vmul.f32 v33, v22;
	[tilespmem:v3+s21+$0x0] =	vst.idx.add.f32.msk $0xffff, v7  }
0x119: {  	v3 =	vmul.f32 v20, v42;
	v20 =	vmul.f32 v8, v17;
	[tilespmem:v2+s21+$0x0] =	vst.idx.add.f32.msk $0xffff, v10  }
0x11a: {  	v25 =	vshrl.u32 v28, $0x10;
	[tilespmem:v5+s21+$0x0] =	vst.idx.add.f32.msk $0xffff, v11;
	v11 =	vor.u32 v16, v23;
	v16 =	vmul.f32 v19, v17  }
0x11b: {  	v8 =	vunpack.i.u.bf16.f32 v55;
	v2 =	vunpack.i.u.bf16.f32 v15;
	v5 =	vunpack.i.l.bf16.f32 v15;
	[tilespmem:v12+s21+$0x0] =	vst.idx.add.f32.msk $0xffff, v18  }
0x11c: {  	v17 =	vmul.f32 v2, v34;
	v15 =	vand.u32 $0x7F, v30;
	v12 =	vmul.f32 v5, v34;
	[tilespmem:v51+s21+$0x0] =	vst.idx.add.f32.msk $0xffff, v3  }
0x11d: {  	v7 =	vand.u32 $0xFFFF, v35;
	v10 =	vand.u32 $0xFFFF, v30;
	v14 =	vmul.f32 v8, v14;
	[tilespmem:v29+s21+$0x0] =	vst.idx.add.f32.msk $0xffff, v0  }
0x11e: {  	v8 =	vadd.s32 $0x5000, v7;
	v2 =	vadd.s32 $0x7800, v10;
	v0 =	vadd.s32 $0x2800, v7;
	[tilespmem:v31+s21+$0x0] =	vst.idx.add.f32.msk $0xffff, v32  }
0x11f: {  	v5 =	vand.u32 $0x7F, v35;
	v3 =	vadd.s32 $0x5000, v10;
	v0 =	vand.u32 $0x1FF80, v0;
	[tilespmem:v9+s21+$0x0] =	vst.idx.add.f32.msk $0xffff, v45  }
0x120: {  	v2 =	vand.u32 $0x1FF80, v2;
	v3 =	vand.u32 $0x1FF80, v3;
	v0 =	vor.u32 v5, v0;
	[tilespmem:v6+s21+$0x0] =	vst.idx.add.f32.msk $0xffff, v48  }
0x121: {  	v18 =	vshrl.u32 v30, $0x10;
	v2 =	vor.u32 v15, v2;
	v3 =	vor.u32 v15, v3;
	[tilespmem:v40+s21+$0x0] =	vst.idx.add.f32.msk $0xffff, v21  }
0x122: {  	v9 =	vadd.s32 $0x2800, v10;
	v6 =	vand.u32 $0xFFFF, v1;
	v21 =	vshrl.u32 v1, $0x10;
	[tilespmem:v7+s21+$0x0] =	vst.idx.add.f32.msk $0xffff, v12  }
0x123: {  	v35 =	vshrl.u32 v4, $0x10;
	v9 =	vand.u32 $0x1FF80, v9;
	v22 =	vadd.s32 $0x2800, v21;
	[tilespmem:v11+s21+$0x0] =	vst.idx.add.f32.msk $0xffff, v14  }
0x124: {  	v19 =	vand.u32 $0xFFFF, v39;
	v15 =	vor.u32 v15, v9;
	v14 =	vshrl.u32 v39, $0x10;
	[tilespmem:v13+s21+$0x0] =	vst.idx.add.f32.msk $0xffff, v16  }
0x125: {  	v9 =	vadd.s32 $0x5000, v6;
	v12 =	vand.u32 $0xFFFF, v28;
	v11 =	vadd.s32 $0x2800, v19;
	[tilespmem:v26+s21+$0x0] =	vst.idx.add.f32.msk $0xffff, v20  }
0x126: {  	v29 =	vand.u32 $0x7F, v39;
	v32 =	vand.u32 $0x7F, v18;
	v11 =	vand.u32 $0x1FF80, v11;
	v31 =	vld [tilespmem:s0+$0xFFFFFFE0]  }
0x127: {  	v13 =	vor.u32 v29, v11;
	v11 =	vadd.s32 $0x2800, v18;
	[tilespmem:v0+s21+$0x0] =	vst.idx.add.f32.msk $0xffff, v17;
	v0 =	vshrl.u32 v27, $0x10  }
0x128: {  	v37 =	vand.u32 $0x1FF80, v11;
	v16 =	vand.u32 $0x7F, v0;
	v17 =	vadd.s32 $0x2800, v0;
	v30 =	vld.idx.msk [tilespmem:v18+s2+$0x0], $0xffff  }
0x129: {  	v23 =	vand.u32 $0xFFFF, v27;
	v40 =	vadd.s32 $0x5000, v19;
	v45 =	vand.u32 $0x7F, v21  }
0x12a: {  	v39 =	vand.u32 $0x7F, v35;
	v38 =	vand.u32 $0x7F, v14;
	v11 =	vand.u32 $0x1FF80, v17  }
0x12b: {  	v17 =	vunpack.i.u.bf16.f32 v24;
	v16 =	vor.u32 v16, v11;
	v26 =	vshrl.u32 v31, $0x10;
	v33 =	vld.idx.msk [tilespmem:v21+s2+$0x0], $0xffff  }
0x12c: {  	v11 =	vmul.f32 v17, v34;
	v0 =	vld.idx.msk [tilespmem:v0+s2+$0x0], $0xffff;
	v36 =	vand.u32 $0x7F, v26;
	v17 =	vadd.s32 $0x2800, v26  }
0x12d: {  	v48 =	vand.u32 $0x1FF80, v22;
	v41 =	vadd.s32 $0x2800, v14;
	v18 =	vadd.s32 $0x2800, v23;
	v43 =	vld.idx.msk [tilespmem:v14+s2+$0x0], $0xffff  }
0x12e: {  	v21 =	vand.u32 $0x1FF80, v18;
	v14 =	vunpack.i.l.bf16.f32 v24;
	v22 =	vand.u32 $0x1FF80, v17;
	v42 =	vld [tilespmem:s29+$0xFFFFFFD0]  }
0x12f: {  	v44 =	vadd.s32 $0x7800, v23;
	v17 =	vadd.s32 $0x5000, v23;
	v20 =	vmul.f32 v14, v34;
	v18 =	vld [tilespmem:s29+$0x30]  }
0x130: {  	v50 =	vand.u32 $0x7F, v27;
	v24 =	vadd.s32 $0x2800, v6;
	v14 =	vadd.s32 $0x2800, v12;
	v46 =	vld.idx.msk [tilespmem:v16+s2+$0x0], $0xffff  }
0x131: {  	v27 =	vor.u32 v50, v21;
	v21 =	vand.u32 $0x1FF80, v14;
	v16 =	vand.u32 $0x7F, v28;
	v34 =	vld.idx.msk [tilespmem:v26+s2+$0x0], $0xffff  }
0x132: {  	v47 =	vadd.s32 $0x5000, v12;
	v56 =	vunpack.i.u.bf16.f32 v0;
	v0 =	vunpack.i.l.bf16.f32 v0;
	v14 =	vld [tilespmem:s29+$0xFFFFFFF0]  }
0x133: {  	v26 =	vor.u32 v16, v21;
	v57 =	vunpack.i.u.bf16.f32 v43;
	v0 =	vmul.f32 v0, v42;
	v21 =	vld [tilespmem:s29+$0x0]  }
.Ltmp2:
0x134: {  	v44 =	vand.u32 $0x1FF80, v44;
	v54 =	vand.u32 $0x1FF80, v17;
	v28 =	vand.u32 $0x7F, v25;
	v17 =	vld [tilespmem:s29+$0x10];
	(pc) =	sbr.rel @p0 .LBB2_7-.Ltmp2, $4  }
0x135: {  	v49 =	vor.u32 v36, v22;
	v43 =	vunpack.i.l.bf16.f32 v43;
	[tilespmem:v23+s21+$0x0] =	vst.idx.add.f32.msk $0xffff, v0;
	v0 =	vadd.s32 $0x7800, v12  }
0x136: {  	v51 =	vor.u32 v50, v44;
	v55 =	vunpack.i.u.bf16.f32 v46;
	v23 =	vunpack.i.l.bf16.f32 v46;
	v22 =	vld [tilespmem:s29+$0x20]  }
0x137: {  	v52 =	vunpack.i.l.bf16.f32 v33;
	v46 =	vand.u32 $0x1FF80, v47;
	v53 =	vmul.f32 v23, v42;
	v47 =	vld.idx.msk [tilespmem:v35+s2+$0x0], $0xffff  }
0x138: {  	s0 =	sadd.s32 $0x80, s0;
	v56 =	vmul.f32 v56, v42;
	v23 =	vand.u32 $0x1FF80, v0;
	v44 =	vld.idx.msk [tilespmem:v25+s2+$0x0], $0xffff;
	v36 =	vmul.f32 v57, v21  }
0x139: {  	_ =	sdelay $0x1  }
0x13a: {  	v60 =	vor.u32 v50, v54  }
0x13b: {  	v0 =	vadd.s32 $0x2800, v25;
	v61 =	vor.u32 v45, v48  }
0x13c: {  	v35 =	vadd.s32 $0x2800, v35;
	v0 =	vand.u32 $0x1FF80, v0;
	[tilespmem:v27+s21+$0x0] =	vst.idx.add.f32.msk $0xffff, v56  }
0x13d: {  	v32 =	vor.u32 v32, v37;
	v35 =	vand.u32 $0x1FF80, v35;
	v0 =	vor.u32 v28, v0;
	v28 =	vld [tilespmem:s29+$0xFFFFFFE0]  }
0x13e: {  	v35 =	vor.u32 v39, v35;
	v39 =	vld.idx.msk [tilespmem:v49+s2+$0x0], $0xffff  }
0x13f: {  	v42 =	vmul.f32 v55, v42;
	v55 =	vand.u32 $0x1FF80, v41;
	v56 =	vmul.f32 v52, v22;
	[tilespmem:v60+s21+$0x0] =	vst.idx.add.f32.msk $0xffff, v53  }
0x140: {  	v62 =	vadd.s32 $0x7800, v19;
	v63 =	vunpack.i.l.bf16.f32 v30;
	v38 =	vor.u32 v38, v55;
	v27 =	vld.idx.msk [tilespmem:v61+s2+$0x0], $0xffff  }
0x141: {  	v37 =	vand.u32 $0xFFFF, v31;
	v40 =	vand.u32 $0x1FF80, v40;
	v48 =	vmul.f32 v63, v18;
	[tilespmem:v6+s21+$0x0] =	vst.idx.add.f32.msk $0xffff, v56  }
0x142: {  	v58 =	vunpack.i.l.bf16.f32 v34;
	v31 =	vand.u32 $0x7F, v31;
	v8 =	vand.u32 $0x1FF80, v8;
	v32 =	vld.idx.msk [tilespmem:v32+s2+$0x0], $0xffff  }
0x143: {  	v43 =	vmul.f32 v43, v21;
	v33 =	vunpack.i.u.bf16.f32 v33;
	v8 =	vor.u32 v5, v8;
	[tilespmem:v10+s21+$0x0] =	vst.idx.add.f32.msk $0xffff, v48  }
0x144: {  	v7 =	vadd.s32 $0x7800, v7;
	v1 =	vand.u32 $0x7F, v1;
	v63 =	vunpack.i.u.bf16.f32 v30;
	[tilespmem:v51+s21+$0x0] =	vst.idx.add.f32.msk $0xffff, v42  }
0x145: {  	v24 =	vand.u32 $0x1FF80, v24;
	v9 =	vand.u32 $0x1FF80, v9;
	v30 =	vmul.f32 v63, v18;
	v38 =	vld.idx.msk [tilespmem:v38+s2+$0x0], $0xffff  }
0x146: {  	v54 =	vand.u32 $0x1FF80, v62;
	v57 =	vadd.s32 $0x2800, v37;
	v59 =	vadd.s32 $0x7800, v37;
	[tilespmem:v19+s21+$0x0] =	vst.idx.add.f32.msk $0xffff, v43  }
0x147: {  	v25 =	vor.u32 v29, v54;
	v41 =	vand.u32 $0x1FF80, v59;
	v49 =	vand.u32 $0xFFFF, v4;
	[tilespmem:v15+s21+$0x0] =	vst.idx.add.f32.msk $0xffff, v30  }
0x148: {  	v4 =	vand.u32 $0x7F, v4;
	v62 =	vadd.s32 $0x2800, v49;
	v54 =	vunpack.i.l.bf16.f32 v47;
	[tilespmem:v8+s21+$0x0] =	vst.idx.add.f32.msk $0xffff, v20  }
0x149: {  	v60 =	vunpack.i.u.bf16.f32 v34;
	v61 =	vadd.s32 $0x5000, v37;
	v53 =	vand.u32 $0x1FF80, v57;
	v0 =	vld.idx.msk [tilespmem:v0+s2+$0x0], $0xffff  }
0x14a: {  	v57 =	vunpack.i.l.bf16.f32 v44;
	v42 =	vmul.f32 v54, v17;
	v19 =	vor.u32 v31, v53;
	v35 =	vld.idx.msk [tilespmem:v35+s2+$0x0], $0xffff  }
0x14b: {  	v51 =	vand.u32 $0x1FF80, v62;
	v59 =	vmul.f32 v57, v14;
	v45 =	vmul.f32 v58, v28;
	[tilespmem:v13+s21+$0x0] =	vst.idx.add.f32.msk $0xffff, v36  }
0x14c: {  	v52 =	vor.u32 v4, v51;
	v55 =	vmul.f32 v60, v28;
	v58 =	vunpack.i.u.bf16.f32 v44;
	[tilespmem:v49+s21+$0x0] =	vst.idx.add.f32.msk $0xffff, v42  }
0x14d: {  	v60 =	vand.u32 $0x1FF80, v61;
	v44 =	vor.u32 v1, v24;
	v15 =	vmul.f32 v58, v14;
	[tilespmem:v12+s21+$0x0] =	vst.idx.add.f32.msk $0xffff, v59  }
0x14e: {  	v7 =	vand.u32 $0x1FF80, v7;
	v56 =	vunpack.i.u.bf16.f32 v47;
	v61 =	vor.u32 v31, v60;
	[tilespmem:v37+s21+$0x0] =	vst.idx.add.f32.msk $0xffff, v45  }
0x14f: {  	v29 =	vor.u32 v29, v40;
	v48 =	vadd.s32 $0x7800, v6;
	v34 =	vmul.f32 v56, v17;
	[tilespmem:v26+s21+$0x0] =	vst.idx.add.f32.msk $0xffff, v15  }
0x150: {  	v63 =	vunpack.i.l.bf16.f32 v39;
	v51 =	vmul.f32 v33, v22;
	v42 =	vor.u32 v5, v7;
	[tilespmem:v19+s21+$0x0] =	vst.idx.add.f32.msk $0xffff, v55  }
0x151: {  	v62 =	vadd.s32 $0x5000, v49;
	v30 =	vmul.f32 v63, v28;
	v40 =	vunpack.i.l.bf16.f32 v32;
	[tilespmem:v52+s21+$0x0] =	vst.idx.add.f32.msk $0xffff, v34  }
0x152: {  	v50 =	vunpack.i.u.bf16.f32 v39;
	v45 =	vor.u32 v31, v41;
	v13 =	vmul.f32 v40, v18;
	[tilespmem:v44+s21+$0x0] =	vst.idx.add.f32.msk $0xffff, v51  }
0x153: {  	v53 =	vadd.s32 $0x7800, v49;
	v6 =	vmul.f32 v50, v28;
	v43 =	vunpack.i.u.bf16.f32 v32;
	[tilespmem:v61+s21+$0x0] =	vst.idx.add.f32.msk $0xffff, v30  }
0x154: {  	v12 =	vand.u32 $0x1FF80, v62;
	v37 =	vor.u32 v16, v46;
	v7 =	vmul.f32 v43, v18;
	[tilespmem:v3+s21+$0x0] =	vst.idx.add.f32.msk $0xffff, v13  }
0x155: {  	v59 =	vor.u32 v16, v23;
	v56 =	vunpack.i.l.bf16.f32 v27;
	v47 =	vunpack.i.l.bf16.f32 v38;
	[tilespmem:v42+s21+$0x0] =	vst.idx.add.f32.msk $0xffff, v11  }
0x156: {  	v60 =	vunpack.i.u.bf16.f32 v38;
	v46 =	vunpack.i.l.bf16.f32 v0;
	v54 =	vmul.f32 v47, v21;
	[tilespmem:v2+s21+$0x0] =	vst.idx.add.f32.msk $0xffff, v7  }
0x157: {  	v52 =	vor.u32 v1, v9;
	v3 =	vand.u32 $0x1FF80, v48;
	v57 =	vmul.f32 v46, v14;
	[tilespmem:v45+s21+$0x0] =	vst.idx.add.f32.msk $0xffff, v6  }
0x158: {  	v0 =	vunpack.i.u.bf16.f32 v0;
	v1 =	vor.u32 v1, v3;
	[tilespmem:v29+s21+$0x0] =	vst.idx.add.f32.msk $0xffff, v54;
	v7 =	vmul.f32 v60, v21  }
0x159: {  	s28 =	sadd.s32 $0x1, s28;
	v55 =	vand.u32 $0x1FF80, v53;
	v61 =	vor.u32 v4, v12;
	v0 =	vmul.f32 v0, v14;
	[tilespmem:v37+s21+$0x0] =	vst.idx.add.f32.msk $0xffff, v57  }
0x15a: {  	p0 =	sne.s32 s28, $0xA;
	v58 =	vunpack.i.u.bf16.f32 v27;
	v5 =	vmul.f32 v56, v22;
	v3 =	vor.u32 v4, v55;
	[tilespmem:v25+s21+$0x0] =	vst.idx.add.f32.msk $0xffff, v7  }
.Ltmp3:
0x15b: {  	v62 =	vunpack.i.l.bf16.f32 v35;
	v6 =	vmul.f32 v58, v22;
	[tilespmem:v59+s21+$0x0] =	vst.idx.add.f32.msk $0xffff, v0;
	(pc) =	sbr.rel @p0 .LBB2_4-.Ltmp3, $4  }
0x15c: {  	v63 =	vunpack.i.u.bf16.f32 v35;
	v2 =	vmul.f32 v62, v17;
	[tilespmem:v52+s21+$0x0] =	vst.idx.add.f32.msk $0xffff, v5  }
0x15d: {  	[tilespmem:v1+s21+$0x0] =	vst.idx.add.f32.msk $0xffff, v6;
	v1 =	vmul.f32 v63, v17  }
0x15e: {  	[tilespmem:v61+s21+$0x0] =	vst.idx.add.f32.msk $0xffff, v2  }
0x15f: {  	[tilespmem:v3+s21+$0x0] =	vst.idx.add.f32.msk $0xffff, v1  }
0x160: {  	[hbm4b:s7+s12] =	stream.strided.scatter [tilespmem:s21], [sflag:$0x3], $0x2800, s13, s12, $0x38;
	[tilespmem:$0x1EA00] =	vst v63  }
0x161: {  	_ =	swait.ge [sflag:s14], $0x2800  }
0x162: {  	[sflag:s14] =	ssyncset.done $0x0  }
0x163: {  	[sflag:s14] =	ssyncadd.s32 $0xFFFFD800  }
0x164: {  	[hbm4b:s8+s12] =	stream.strided.scatter [tilespmem:s23], [sflag:$0x3], $0x2800, s13, s12, $0x38;
	[tilespmem:$0x1EA00] =	vst v63  }
0x165: {  	_ =	swait.ge [sflag:s14], $0x2800  }
0x166: {  	[sflag:s14] =	ssyncset.done $0x0  }
0x167: {  	[sflag:s14] =	ssyncadd.s32 $0xFFFFD800  }
0x168: {  	[hbm4b:s9+s12] =	stream.strided.scatter [tilespmem:s24], [sflag:$0x3], $0x2800, s13, s12, $0x38;
	[tilespmem:$0x1EA00] =	vst v63  }
0x169: {  	s26 =	sadd.s32 $0x1, s26;
	_ =	swait.ge [sflag:s14], $0x2800  }
0x16a: {  	p0 =	sne.s32 s26, s11;
	[sflag:s14] =	ssyncset.done $0x0  }
.Ltmp4:
0x16b: {  	[sflag:s14] =	ssyncadd.s32 $0xFFFFD800;
	(pc) =	sbr.rel @p0 .LBB2_1-.Ltmp4, $4  }
0x16c: {  	[hbm4b:s10+s12] =	stream.strided.scatter [tilespmem:s25], [sflag:$0x3], $0x2800, s13, s12, $0x38;
	[tilespmem:$0x1EA00] =	vst v63  }
0x16d: {  	_ =	swait.ge [sflag:s14], $0x2800  }
0x16e: {  	[sflag:s14] =	ssyncset.done $0x0  }
0x16f: {  	v0 =	vimm.f32 $0.0e+00;
	[sflag:s14] =	ssyncadd.s32 $0xFFFFD800  }
0x170: {  	_ =	sfence.sel $0x180000  }
0x171: {  	[bflag:$0x0] =	sbarrier.arrive $0xFFFF  }
0x172: {  	_ =	strace $0x9000004A  }
0x173: {  	[bflag:$0x2] =	sbarrier.arrive $0xFFFF  }
0x174: {  	p0 =	sne.s32 s1, $0x0;
	s0 =	rddreg [dreg:$0x2]  }
0x175: {  	s0 =	sadd.s32 @!p0 $0x100000, s0  }
0x176: {  	[sflag:s0] =	ssyncadd.tile.s32 @!p0 $0x1;
	_ =	shalt  }
.Lfunc_end2:
_tile_overlayer_lowered:
.L_overlay_start_2:
0x177: {  	(tag) =	ssettag $0x2  }
0x178: {  	s0 =	rddreg [dreg:$0x0];
	s2 =	stileid.u32  }
0x179: {  	s1 =	rddreg [dreg:$0x1];
	p0 =	sne.s32 s2, $0x0  }
0x17a: {  	s3 =	rddreg [dreg:$0x2];
	[bflag:$0x3] =	sbarrier.arrive $0xFFFF;
	s2 =	simm.s32 @!p0 $0x1C03  }
0x17b: {  	[timem:s3], [sflag:s2] =	dma.local @!p0 [hbm:s0], s1  }
0x17c: {  	s0 =	simm.s32 @!p0 $0x3  }
0x17d: {  	_ =	swait.ge @!p0 [sflag:s0], s1  }
0x17e: {  	s1 =	ssub.s32 @!p0 $0x0, s1;
	[sflag:s0] =	ssyncset.done @!p0 $0x0  }
0x17f: {  	[sflag:s0] =	ssyncadd.s32 @!p0 s1  }
0x180: {  	[bflag:$0x3] =	sbarrier.arrive $0xFFFF  }
0x181: {  	_ =	shalt  }

</sc_bundles>
